<compile_context>
chip_gen: v7x
topology: tpu7x:2x2x1
jax: 0.10.2.dev20260603
libtpu: 0.0.44.dev20260713+nightly
codegen_flags: <defaults>
</compile_context>

<pallas_src>
import functools

import jax
import jax.numpy as jnp
from jax import lax
from jax.experimental import pallas as pl
from jax.experimental.pallas import tpu as pltpu
from jax.experimental.pallas import tpu_sc as plsc

B = 16384
V = 1000
D = 16
OUT = 10
EPS = 1e-5

NC = 2
NS = 16
NW = NC * NS
BPW = B // NW
LANES = 16
CHUNKS = BPW // LANES
GCH = 128
NG = BPW // GCH
APT = B // NS
ROWS = 64
PR = 10


def _splat16(x):
    return jnp.full((LANES,), x, jnp.float32)


def _spl(c):
    return jnp.full((LANES,), c, jnp.int32)


def _body(ids_hbm, ages_hbm, table_hbm, params_hbm,
          out_hbm, p_hbm,
          ids_v, a_v, ab_v, t_v, params_v, p_loc, rows_v, outc_v,
          st_v, allst_v, shst, sem, sem_out):
    cid = lax.axis_index("c")
    sid = lax.axis_index("s")
    wid = sid * NC + cid
    base = wid * BPW
    iota = lax.iota(jnp.int32, LANES)

    base_t = jnp.minimum(sid * ROWS, V - ROWS)
    stage = [
        pltpu.async_copy(ages_hbm.at[pl.ds(sid * APT, APT)], a_v, sem),
        pltpu.async_copy(ages_hbm.at[pl.ds(base, BPW)], ab_v, sem),
        pltpu.async_copy(table_hbm.at[pl.ds(base_t, ROWS)], t_v, sem),
        pltpu.async_copy(params_hbm, params_v, sem),
    ] + [pltpu.async_copy(ids_hbm.at[pl.ds(base + r * GCH, GCH)], ids_v.at[r],
                          sem)
         for r in range(NG)]
    for c in stage:
        c.wait()

    def stat_step(i, carry):
        s1, s2 = carry
        v = a_v[pl.ds(i * LANES, LANES)]
        return s1 + v, s2 + v * v

    z16 = jnp.zeros((LANES,), jnp.float32)
    s1, s2 = lax.fori_loop(0, APT // LANES, stat_step, (z16, z16))
    st_v[pl.ds(0, LANES)] = s1
    st_v[pl.ds(LANES, LANES)] = s2
    pltpu.sync_copy(st_v, shst.at[pl.ds(sid * 2 * LANES, 2 * LANES)])

    w16 = [plsc.load_gather(params_v, [_spl(j), _spl(D)]) for j in range(OUT)]

    def p_chunk(ch, carry):
        v_loc = ch * LANES + iota
        feats = [jnp.maximum(plsc.load_gather(t_v, [v_loc, _spl(d)]), 0.0)
                 for d in range(D)]

        def p_col(j, carry2):
            jspl = jnp.full((LANES,), j, jnp.int32)
            wrow = plsc.load_gather(params_v, [jspl, iota])
            acc = plsc.load_gather(params_v, [_spl(PR), jspl])
            for d in range(D):
                acc = acc + feats[d] * wrow[d]
            plsc.store_scatter(p_loc, [v_loc, jspl], acc)
            return carry2

        lax.fori_loop(0, OUT, p_col, 0)
        return carry

    lax.fori_loop(0, ROWS // LANES, p_chunk, 0)

    @pl.when(sid < NS - 1)
    def _():
        pltpu.sync_copy(p_loc, p_hbm.at[pl.ds(sid * ROWS, ROWS)])

    @pl.when(sid == NS - 1)
    def _():
        off = NS * ROWS - V
        pltpu.sync_copy(p_loc.at[pl.ds(off, ROWS - off)],
                        p_hbm.at[pl.ds((NS - 1) * ROWS, ROWS - off)])

    plsc.subcore_barrier()

    copies = [pltpu.async_copy(p_hbm.at[ids_v.at[r]],
                               rows_v.at[pl.ds(r * GCH, GCH)], sem)
              for r in range(NG)]

    pltpu.sync_copy(shst, allst_v)

    def red_step(i, carry):
        s1, s2 = carry
        return (s1 + allst_v[pl.ds(i * 2 * LANES, LANES)],
                s2 + allst_v[pl.ds(i * 2 * LANES + LANES, LANES)])

    r1, r2 = lax.fori_loop(0, NS, red_step, (z16, z16))
    meanv = _splat16(jnp.sum(r1)) * (1.0 / B)
    varv = _splat16(jnp.sum(r2)) * (1.0 / B) - meanv * meanv
    xv = varv + EPS
    yv = plsc.bitcast(0x5F3759DF - (plsc.bitcast(xv, jnp.int32) >> 1),
                      jnp.float32)
    for _ in range(4):
        yv = yv * (1.5 - 0.5 * xv * yv * yv)
    gspl = plsc.load_gather(params_v, [_spl(PR), _spl(OUT)])
    bespl = plsc.load_gather(params_v, [_spl(PR), _spl(OUT + 1)])
    k1 = yv * gspl

    for c in copies:
        c.wait()

    def chunk(ci, carry):
        i_vec = ci * LANES + iota
        a_chunk = ab_v[pl.ds(ci * LANES, LANES)]
        s_chunk = jnp.maximum((a_chunk - meanv) * k1 + bespl, 0.0)
        for j in range(OUT):
            jv = jnp.full((LANES,), j, jnp.int32)
            g = plsc.load_gather(rows_v, [i_vec, jv])
            plsc.store_scatter(outc_v, [i_vec, jv], g + s_chunk * w16[j])
        pltpu.async_copy(outc_v.at[pl.ds(ci * LANES, LANES)],
                         out_hbm.at[pl.ds(base + ci * LANES, LANES)], sem_out)
        return carry

    lax.fori_loop(0, CHUNKS, chunk, 0)
    pltpu.make_async_copy(out_hbm.at[pl.ds(base, BPW)], outc_v,
                          sem_out).wait()


_sc_kernel = functools.partial(
    pl.kernel,
    mesh=plsc.VectorSubcoreMesh(core_axis_name="c", subcore_axis_name="s"),
    out_type=(jax.ShapeDtypeStruct((B, 128), jnp.float32),
              jax.ShapeDtypeStruct((V, D), jnp.float32)),
    compiler_params=pltpu.CompilerParams(needs_layout_passes=False,
                                         use_tc_tiling_on_sc=False),
    scratch_types=[
        pltpu.VMEM((NG, GCH), jnp.int32),
        pltpu.VMEM((APT,), jnp.float32),
        pltpu.VMEM((BPW,), jnp.float32),
        pltpu.VMEM((ROWS, 128), jnp.float32),
        pltpu.VMEM((16, 128), jnp.float32),
        pltpu.VMEM((ROWS, D), jnp.float32),
        pltpu.VMEM((BPW, D), jnp.float32),
        pltpu.VMEM((BPW, 128), jnp.float32),
        pltpu.VMEM((2 * LANES,), jnp.float32),
        pltpu.VMEM((NS * 2 * LANES,), jnp.float32),
        pltpu.VMEM_SHARED((NS * 2 * LANES,), jnp.float32),
        pltpu.SemaphoreType.DMA,
        pltpu.SemaphoreType.DMA,
    ],
)(_body)


def kernel(customer_ids, ages, emb_table, bn_gamma, bn_beta, W, b):
    table128 = jnp.pad(emb_table, ((0, 0), (0, 128 - D)))
    row10 = jnp.concatenate([b, bn_gamma, bn_beta,
                             jnp.zeros((116,), jnp.float32)])
    params = jnp.concatenate([
        jnp.pad(W, ((0, 0), (0, 128 - (D + 1)))),
        row10[None],
        jnp.zeros((5, 128), jnp.float32),
    ], axis=0)
    out128, _ = _sc_kernel(customer_ids, ages, table128, params)
    return out128[:, :OUT]

# --- scband reference (transcript-rebuilt; emitter-appended) ---
"""Pipeline reference for scband-query-tower-19593640804824 (READ-ONLY COPY).

The authoritative reference and input builder live on the scoring server;
editing this copy changes nothing except your own understanding.
"""

import jax, jax.numpy as jnp
import numpy as np

B = 16384
V = 1000
D = 16
OUT = 10
EPS = 1e-5

def setup_inputs(seed: int = 0) -> dict:
    key = jax.random.key(seed)
    k1, k2, k3, k4, k5 = jax.random.split(key, 5)
    customer_ids = jax.random.randint(k1, (B,), 0, V)
    ages = jax.random.uniform(k2, (B,), dtype=jnp.float32)
    emb_table = jax.random.normal(k3, (V, D), dtype=jnp.float32)
    bn_gamma = jnp.ones((1,), dtype=jnp.float32)
    bn_beta = jnp.zeros((1,), dtype=jnp.float32)
    W = jax.random.normal(k4, (OUT, D + 1), dtype=jnp.float32) * (1.0 / np.sqrt(D + 1))
    b = jax.random.normal(k5, (OUT,), dtype=jnp.float32) * 0.01
    return {"customer_ids": customer_ids, "ages": ages, "emb_table": emb_table,
            "bn_gamma": bn_gamma, "bn_beta": bn_beta, "W": W, "b": b}

def reference(customer_ids, ages, emb_table, bn_gamma, bn_beta, W, b):
    # embedding lookup (SparseCore gather)
    user_features = jnp.take(emb_table, customer_ids, axis=0)  # [B, D]
    # BatchNorm1d in training mode: normalize with batch statistics
    a = ages.reshape(-1, 1)  # [B, 1]
    mean = jnp.mean(a, axis=0, keepdims=True)
    var = jnp.var(a, axis=0, keepdims=True)
    age_features = (a - mean) / jnp.sqrt(var + EPS) * bn_gamma + bn_beta  # [B, 1]
    features = jnp.concatenate([user_features, age_features], axis=1)  # [B, D+1]
    features = jax.nn.relu(features)
    return features @ W.T + b  # [B, OUT]

if __name__ == "__main__":
    import jax
    _d = setup_inputs()
    print(jax.jit(kernel)(*tuple(_d.values())))

</pallas_src>

<mosaic_0001>
#map = affine_map<(d0, d1) -> (0)>
#map1 = affine_map<(d0, d1) -> (0, 0)>
module attributes {stable_mosaic.version = 14 : i64} {
  func.func @_body(%arg0: i32, %arg1: i32, %arg2: memref<16384xi32, #tpu.memory_space<hbm>>, %arg3: memref<16384xf32, #tpu.memory_space<hbm>>, %arg4: memref<1000x128xf32, #tpu.memory_space<hbm>>, %arg5: memref<16x128xf32, #tpu.memory_space<hbm>>, %arg6: memref<16384x128xf32, #tpu.memory_space<hbm>>, %arg7: memref<1000x16xf32, #tpu.memory_space<hbm>>, %arg8: memref<4x128xi32, #tpu.memory_space<vmem>>, %arg9: memref<1024xf32, #tpu.memory_space<vmem>>, %arg10: memref<512xf32, #tpu.memory_space<vmem>>, %arg11: memref<64x128xf32, #tpu.memory_space<vmem>>, %arg12: memref<16x128xf32, #tpu.memory_space<vmem>>, %arg13: memref<64x16xf32, #tpu.memory_space<vmem>>, %arg14: memref<512x16xf32, #tpu.memory_space<vmem>>, %arg15: memref<512x128xf32, #tpu.memory_space<vmem>>, %arg16: memref<32xf32, #tpu.memory_space<vmem>>, %arg17: memref<512xf32, #tpu.memory_space<vmem>>, %arg18: memref<512xf32, #tpu.memory_space<vmem_shared>>, %arg19: memref<!tpu.dma_semaphore, #tpu.memory_space<semaphore_mem>>, %arg20: memref<!tpu.dma_semaphore, #tpu.memory_space<semaphore_mem>>) attributes {dimension_semantics = [#tpu.dimension_semantics<core_parallel>, #tpu.dimension_semantics<subcore_parallel>], iteration_bounds = array<i64: 2, 16>, scalar_prefetch = 0 : i64, scratch_operands = 13 : i64, tpu.core_type = #tpu.core_type<sc_vector_subcore>, window_params = [{transform_indices = #map}, {transform_indices = #map}, {transform_indices = #map1}, {transform_indices = #map1}, {transform_indices = #map1}, {transform_indices = #map1}]} {
    %mul3A = arith.constant 2 : i32
    %mul3A_0 = arith.muli %arg1, %mul3A : i32
    %add3A = arith.addi %mul3A_0, %arg0 : i32
    %mul3A_1 = arith.constant 512 : i32
    %mul3A_2 = arith.muli %add3A, %mul3A_1 : i32
    %iota3A = tpu.iota {dimensions = array<i32: 0>} : vector<16xi32>
    %mul3A_3 = arith.constant 64 : i32
    %mul3A_4 = arith.muli %arg1, %mul3A_3 : i32
    %min3A = arith.constant 936 : i32
    %min3A_5 = arith.minsi %mul3A_4, %min3A : i32
    %mul3A_6 = arith.constant 1024 : i32
    %mul3A_7 = arith.muli %arg1, %mul3A_6 : i32
    %dma_start3A = tpu.memref_slice %arg3[%mul3A_7] : memref<16384xf32, #tpu.memory_space<hbm>> -> memref<1024xf32, #tpu.memory_space<hbm>>
    %dma_start3A_8 = tpu.memref_slice %arg3[%mul3A_7] : memref<16384xf32, #tpu.memory_space<hbm>> -> memref<1024xf32, #tpu.memory_space<hbm>>
    tpu.enqueue_dma source(%dma_start3A_8 : memref<1024xf32, #tpu.memory_space<hbm>>) target(%arg9 : memref<1024xf32, #tpu.memory_space<vmem>>) target_semaphore(%arg19 : memref<!tpu.dma_semaphore, #tpu.memory_space<semaphore_mem>>)
    %dma_start3A_9 = tpu.memref_slice %arg3[%mul3A_2] : memref<16384xf32, #tpu.memory_space<hbm>> -> memref<512xf32, #tpu.memory_space<hbm>>
    %dma_start3A_10 = tpu.memref_slice %arg3[%mul3A_2] : memref<16384xf32, #tpu.memory_space<hbm>> -> memref<512xf32, #tpu.memory_space<hbm>>
    tpu.enqueue_dma source(%dma_start3A_10 : memref<512xf32, #tpu.memory_space<hbm>>) target(%arg10 : memref<512xf32, #tpu.memory_space<vmem>>) target_semaphore(%arg19 : memref<!tpu.dma_semaphore, #tpu.memory_space<semaphore_mem>>)
    %dma_start3A_11 = arith.constant 0 : i32
    %dma_start3A_12 = tpu.memref_slice %arg4[%min3A_5, %dma_start3A_11] : memref<1000x128xf32, #tpu.memory_space<hbm>> -> memref<64x128xf32, #tpu.memory_space<hbm>>
    %dma_start3A_13 = arith.constant 0 : i32
    %dma_start3A_14 = tpu.memref_slice %arg4[%min3A_5, %dma_start3A_13] : memref<1000x128xf32, #tpu.memory_space<hbm>> -> memref<64x128xf32, #tpu.memory_space<hbm>>
    tpu.enqueue_dma source(%dma_start3A_14 : memref<64x128xf32, #tpu.memory_space<hbm>>) target(%arg11 : memref<64x128xf32, #tpu.memory_space<vmem>>) target_semaphore(%arg19 : memref<!tpu.dma_semaphore, #tpu.memory_space<semaphore_mem>>)
    tpu.enqueue_dma source(%arg5 : memref<16x128xf32, #tpu.memory_space<hbm>>) target(%arg12 : memref<16x128xf32, #tpu.memory_space<vmem>>) target_semaphore(%arg19 : memref<!tpu.dma_semaphore, #tpu.memory_space<semaphore_mem>>)
    %add3A_15 = arith.constant 0 : i32
    %add3A_16 = arith.addi %mul3A_2, %add3A_15 : i32
    %dma_start3A_17 = arith.constant 0 : i32
    %dma_start3A_18 = arith.constant 0 : i32
    %dma_start3A_19 = tpu.memref_slice %arg8[%dma_start3A_17, %dma_start3A_18] : memref<4x128xi32, #tpu.memory_space<vmem>> -> memref<1x128xi32, #tpu.memory_space<vmem>>
    %dma_start3A_20 = tpu.memref_squeeze %dma_start3A_19 : memref<1x128xi32, #tpu.memory_space<vmem>> -> memref<128xi32, #tpu.memory_space<vmem>>
    %dma_start3A_21 = tpu.memref_slice %arg2[%add3A_16] : memref<16384xi32, #tpu.memory_space<hbm>> -> memref<128xi32, #tpu.memory_space<hbm>>
    %dma_start3A_22 = arith.constant 0 : i32
    %dma_start3A_23 = tpu.memref_slice %arg8[%dma_start3A_17, %dma_start3A_22] : memref<4x128xi32, #tpu.memory_space<vmem>> -> memref<1x128xi32, #tpu.memory_space<vmem>>
    %dma_start3A_24 = tpu.memref_squeeze %dma_start3A_23 : memref<1x128xi32, #tpu.memory_space<vmem>> -> memref<128xi32, #tpu.memory_space<vmem>>
    %dma_start3A_25 = tpu.memref_slice %arg2[%add3A_16] : memref<16384xi32, #tpu.memory_space<hbm>> -> memref<128xi32, #tpu.memory_space<hbm>>
    tpu.enqueue_dma source(%dma_start3A_25 : memref<128xi32, #tpu.memory_space<hbm>>) target(%dma_start3A_24 : memref<128xi32, #tpu.memory_space<vmem>>) target_semaphore(%arg19 : memref<!tpu.dma_semaphore, #tpu.memory_space<semaphore_mem>>)
    %add3A_26 = arith.constant 128 : i32
    %add3A_27 = arith.addi %mul3A_2, %add3A_26 : i32
    %dma_start3A_28 = arith.constant 1 : i32
    %dma_start3A_29 = arith.constant 0 : i32
    %dma_start3A_30 = tpu.memref_slice %arg8[%dma_start3A_28, %dma_start3A_29] : memref<4x128xi32, #tpu.memory_space<vmem>> -> memref<1x128xi32, #tpu.memory_space<vmem>>
    %dma_start3A_31 = tpu.memref_squeeze %dma_start3A_30 : memref<1x128xi32, #tpu.memory_space<vmem>> -> memref<128xi32, #tpu.memory_space<vmem>>
    %dma_start3A_32 = tpu.memref_slice %arg2[%add3A_27] : memref<16384xi32, #tpu.memory_space<hbm>> -> memref<128xi32, #tpu.memory_space<hbm>>
    %dma_start3A_33 = arith.constant 0 : i32
    %dma_start3A_34 = tpu.memref_slice %arg8[%dma_start3A_28, %dma_start3A_33] : memref<4x128xi32, #tpu.memory_space<vmem>> -> memref<1x128xi32, #tpu.memory_space<vmem>>
    %dma_start3A_35 = tpu.memref_squeeze %dma_start3A_34 : memref<1x128xi32, #tpu.memory_space<vmem>> -> memref<128xi32, #tpu.memory_space<vmem>>
    %dma_start3A_36 = tpu.memref_slice %arg2[%add3A_27] : memref<16384xi32, #tpu.memory_space<hbm>> -> memref<128xi32, #tpu.memory_space<hbm>>
    tpu.enqueue_dma source(%dma_start3A_36 : memref<128xi32, #tpu.memory_space<hbm>>) target(%dma_start3A_35 : memref<128xi32, #tpu.memory_space<vmem>>) target_semaphore(%arg19 : memref<!tpu.dma_semaphore, #tpu.memory_space<semaphore_mem>>)
    %add3A_37 = arith.constant 256 : i32
    %add3A_38 = arith.addi %mul3A_2, %add3A_37 : i32
    %dma_start3A_39 = arith.constant 2 : i32
    %dma_start3A_40 = arith.constant 0 : i32
    %dma_start3A_41 = tpu.memref_slice %arg8[%dma_start3A_39, %dma_start3A_40] : memref<4x128xi32, #tpu.memory_space<vmem>> -> memref<1x128xi32, #tpu.memory_space<vmem>>
    %dma_start3A_42 = tpu.memref_squeeze %dma_start3A_41 : memref<1x128xi32, #tpu.memory_space<vmem>> -> memref<128xi32, #tpu.memory_space<vmem>>
    %dma_start3A_43 = tpu.memref_slice %arg2[%add3A_38] : memref<16384xi32, #tpu.memory_space<hbm>> -> memref<128xi32, #tpu.memory_space<hbm>>
    %dma_start3A_44 = arith.constant 0 : i32
    %dma_start3A_45 = tpu.memref_slice %arg8[%dma_start3A_39, %dma_start3A_44] : memref<4x128xi32, #tpu.memory_space<vmem>> -> memref<1x128xi32, #tpu.memory_space<vmem>>
    %dma_start3A_46 = tpu.memref_squeeze %dma_start3A_45 : memref<1x128xi32, #tpu.memory_space<vmem>> -> memref<128xi32, #tpu.memory_space<vmem>>
    %dma_start3A_47 = tpu.memref_slice %arg2[%add3A_38] : memref<16384xi32, #tpu.memory_space<hbm>> -> memref<128xi32, #tpu.memory_space<hbm>>
    tpu.enqueue_dma source(%dma_start3A_47 : memref<128xi32, #tpu.memory_space<hbm>>) target(%dma_start3A_46 : memref<128xi32, #tpu.memory_space<vmem>>) target_semaphore(%arg19 : memref<!tpu.dma_semaphore, #tpu.memory_space<semaphore_mem>>)
    %add3A_48 = arith.constant 384 : i32
    %add3A_49 = arith.addi %mul3A_2, %add3A_48 : i32
    %dma_start3A_50 = arith.constant 3 : i32
    %dma_start3A_51 = arith.constant 0 : i32
    %dma_start3A_52 = tpu.memref_slice %arg8[%dma_start3A_50, %dma_start3A_51] : memref<4x128xi32, #tpu.memory_space<vmem>> -> memref<1x128xi32, #tpu.memory_space<vmem>>
    %dma_start3A_53 = tpu.memref_squeeze %dma_start3A_52 : memref<1x128xi32, #tpu.memory_space<vmem>> -> memref<128xi32, #tpu.memory_space<vmem>>
    %dma_start3A_54 = tpu.memref_slice %arg2[%add3A_49] : memref<16384xi32, #tpu.memory_space<hbm>> -> memref<128xi32, #tpu.memory_space<hbm>>
    %dma_start3A_55 = arith.constant 0 : i32
    %dma_start3A_56 = tpu.memref_slice %arg8[%dma_start3A_50, %dma_start3A_55] : memref<4x128xi32, #tpu.memory_space<vmem>> -> memref<1x128xi32, #tpu.memory_space<vmem>>
    %dma_start3A_57 = tpu.memref_squeeze %dma_start3A_56 : memref<1x128xi32, #tpu.memory_space<vmem>> -> memref<128xi32, #tpu.memory_space<vmem>>
    %dma_start3A_58 = tpu.memref_slice %arg2[%add3A_49] : memref<16384xi32, #tpu.memory_space<hbm>> -> memref<128xi32, #tpu.memory_space<hbm>>
    tpu.enqueue_dma source(%dma_start3A_58 : memref<128xi32, #tpu.memory_space<hbm>>) target(%dma_start3A_57 : memref<128xi32, #tpu.memory_space<vmem>>) target_semaphore(%arg19 : memref<!tpu.dma_semaphore, #tpu.memory_space<semaphore_mem>>)
    %dma_wait3A = tpu.memref_slice %arg3[%mul3A_7] : memref<16384xf32, #tpu.memory_space<hbm>> -> memref<1024xf32, #tpu.memory_space<hbm>>
    %dma_wait3A_59 = tpu.memref_slice %arg3[%mul3A_7] : memref<16384xf32, #tpu.memory_space<hbm>> -> memref<1024xf32, #tpu.memory_space<hbm>>
    tpu.wait_dma2 semaphore(%arg19 : memref<!tpu.dma_semaphore, #tpu.memory_space<semaphore_mem>>) src(%dma_wait3A_59 : memref<1024xf32, #tpu.memory_space<hbm>>) dst(%arg9 : memref<1024xf32, #tpu.memory_space<vmem>>)
    %dma_wait3A_60 = tpu.memref_slice %arg3[%mul3A_2] : memref<16384xf32, #tpu.memory_space<hbm>> -> memref<512xf32, #tpu.memory_space<hbm>>
    %dma_wait3A_61 = tpu.memref_slice %arg3[%mul3A_2] : memref<16384xf32, #tpu.memory_space<hbm>> -> memref<512xf32, #tpu.memory_space<hbm>>
    tpu.wait_dma2 semaphore(%arg19 : memref<!tpu.dma_semaphore, #tpu.memory_space<semaphore_mem>>) src(%dma_wait3A_61 : memref<512xf32, #tpu.memory_space<hbm>>) dst(%arg10 : memref<512xf32, #tpu.memory_space<vmem>>)
    %dma_wait3A_62 = arith.constant 0 : i32
    %dma_wait3A_63 = tpu.memref_slice %arg4[%min3A_5, %dma_wait3A_62] : memref<1000x128xf32, #tpu.memory_space<hbm>> -> memref<64x128xf32, #tpu.memory_space<hbm>>
    %dma_wait3A_64 = arith.constant 0 : i32
    %dma_wait3A_65 = tpu.memref_slice %arg4[%min3A_5, %dma_wait3A_64] : memref<1000x128xf32, #tpu.memory_space<hbm>> -> memref<64x128xf32, #tpu.memory_space<hbm>>
    tpu.wait_dma2 semaphore(%arg19 : memref<!tpu.dma_semaphore, #tpu.memory_space<semaphore_mem>>) src(%dma_wait3A_65 : memref<64x128xf32, #tpu.memory_space<hbm>>) dst(%arg11 : memref<64x128xf32, #tpu.memory_space<vmem>>)
    tpu.wait_dma2 semaphore(%arg19 : memref<!tpu.dma_semaphore, #tpu.memory_space<semaphore_mem>>) src(%arg5 : memref<16x128xf32, #tpu.memory_space<hbm>>) dst(%arg12 : memref<16x128xf32, #tpu.memory_space<vmem>>)
    %dma_wait3A_66 = arith.constant 0 : i32
    %dma_wait3A_67 = arith.constant 0 : i32
    %dma_wait3A_68 = tpu.memref_slice %arg8[%dma_wait3A_66, %dma_wait3A_67] : memref<4x128xi32, #tpu.memory_space<vmem>> -> memref<1x128xi32, #tpu.memory_space<vmem>>
    %dma_wait3A_69 = tpu.memref_squeeze %dma_wait3A_68 : memref<1x128xi32, #tpu.memory_space<vmem>> -> memref<128xi32, #tpu.memory_space<vmem>>
    %dma_wait3A_70 = tpu.memref_slice %arg2[%add3A_16] : memref<16384xi32, #tpu.memory_space<hbm>> -> memref<128xi32, #tpu.memory_space<hbm>>
    %dma_wait3A_71 = arith.constant 0 : i32
    %dma_wait3A_72 = tpu.memref_slice %arg8[%dma_wait3A_66, %dma_wait3A_71] : memref<4x128xi32, #tpu.memory_space<vmem>> -> memref<1x128xi32, #tpu.memory_space<vmem>>
    %dma_wait3A_73 = tpu.memref_squeeze %dma_wait3A_72 : memref<1x128xi32, #tpu.memory_space<vmem>> -> memref<128xi32, #tpu.memory_space<vmem>>
    %dma_wait3A_74 = tpu.memref_slice %arg2[%add3A_16] : memref<16384xi32, #tpu.memory_space<hbm>> -> memref<128xi32, #tpu.memory_space<hbm>>
    tpu.wait_dma2 semaphore(%arg19 : memref<!tpu.dma_semaphore, #tpu.memory_space<semaphore_mem>>) src(%dma_wait3A_74 : memref<128xi32, #tpu.memory_space<hbm>>) dst(%dma_wait3A_73 : memref<128xi32, #tpu.memory_space<vmem>>)
    %dma_wait3A_75 = arith.constant 1 : i32
    %dma_wait3A_76 = arith.constant 0 : i32
    %dma_wait3A_77 = tpu.memref_slice %arg8[%dma_wait3A_75, %dma_wait3A_76] : memref<4x128xi32, #tpu.memory_space<vmem>> -> memref<1x128xi32, #tpu.memory_space<vmem>>
    %dma_wait3A_78 = tpu.memref_squeeze %dma_wait3A_77 : memref<1x128xi32, #tpu.memory_space<vmem>> -> memref<128xi32, #tpu.memory_space<vmem>>
    %dma_wait3A_79 = tpu.memref_slice %arg2[%add3A_27] : memref<16384xi32, #tpu.memory_space<hbm>> -> memref<128xi32, #tpu.memory_space<hbm>>
    %dma_wait3A_80 = arith.constant 0 : i32
    %dma_wait3A_81 = tpu.memref_slice %arg8[%dma_wait3A_75, %dma_wait3A_80] : memref<4x128xi32, #tpu.memory_space<vmem>> -> memref<1x128xi32, #tpu.memory_space<vmem>>
    %dma_wait3A_82 = tpu.memref_squeeze %dma_wait3A_81 : memref<1x128xi32, #tpu.memory_space<vmem>> -> memref<128xi32, #tpu.memory_space<vmem>>
    %dma_wait3A_83 = tpu.memref_slice %arg2[%add3A_27] : memref<16384xi32, #tpu.memory_space<hbm>> -> memref<128xi32, #tpu.memory_space<hbm>>
    tpu.wait_dma2 semaphore(%arg19 : memref<!tpu.dma_semaphore, #tpu.memory_space<semaphore_mem>>) src(%dma_wait3A_83 : memref<128xi32, #tpu.memory_space<hbm>>) dst(%dma_wait3A_82 : memref<128xi32, #tpu.memory_space<vmem>>)
    %dma_wait3A_84 = arith.constant 2 : i32
    %dma_wait3A_85 = arith.constant 0 : i32
    %dma_wait3A_86 = tpu.memref_slice %arg8[%dma_wait3A_84, %dma_wait3A_85] : memref<4x128xi32, #tpu.memory_space<vmem>> -> memref<1x128xi32, #tpu.memory_space<vmem>>
    %dma_wait3A_87 = tpu.memref_squeeze %dma_wait3A_86 : memref<1x128xi32, #tpu.memory_space<vmem>> -> memref<128xi32, #tpu.memory_space<vmem>>
    %dma_wait3A_88 = tpu.memref_slice %arg2[%add3A_38] : memref<16384xi32, #tpu.memory_space<hbm>> -> memref<128xi32, #tpu.memory_space<hbm>>
    %dma_wait3A_89 = arith.constant 0 : i32
    %dma_wait3A_90 = tpu.memref_slice %arg8[%dma_wait3A_84, %dma_wait3A_89] : memref<4x128xi32, #tpu.memory_space<vmem>> -> memref<1x128xi32, #tpu.memory_space<vmem>>
    %dma_wait3A_91 = tpu.memref_squeeze %dma_wait3A_90 : memref<1x128xi32, #tpu.memory_space<vmem>> -> memref<128xi32, #tpu.memory_space<vmem>>
    %dma_wait3A_92 = tpu.memref_slice %arg2[%add3A_38] : memref<16384xi32, #tpu.memory_space<hbm>> -> memref<128xi32, #tpu.memory_space<hbm>>
    tpu.wait_dma2 semaphore(%arg19 : memref<!tpu.dma_semaphore, #tpu.memory_space<semaphore_mem>>) src(%dma_wait3A_92 : memref<128xi32, #tpu.memory_space<hbm>>) dst(%dma_wait3A_91 : memref<128xi32, #tpu.memory_space<vmem>>)
    %dma_wait3A_93 = arith.constant 3 : i32
    %dma_wait3A_94 = arith.constant 0 : i32
    %dma_wait3A_95 = tpu.memref_slice %arg8[%dma_wait3A_93, %dma_wait3A_94] : memref<4x128xi32, #tpu.memory_space<vmem>> -> memref<1x128xi32, #tpu.memory_space<vmem>>
    %dma_wait3A_96 = tpu.memref_squeeze %dma_wait3A_95 : memref<1x128xi32, #tpu.memory_space<vmem>> -> memref<128xi32, #tpu.memory_space<vmem>>
    %dma_wait3A_97 = tpu.memref_slice %arg2[%add3A_49] : memref<16384xi32, #tpu.memory_space<hbm>> -> memref<128xi32, #tpu.memory_space<hbm>>
    %dma_wait3A_98 = arith.constant 0 : i32
    %dma_wait3A_99 = tpu.memref_slice %arg8[%dma_wait3A_93, %dma_wait3A_98] : memref<4x128xi32, #tpu.memory_space<vmem>> -> memref<1x128xi32, #tpu.memory_space<vmem>>
    %dma_wait3A_100 = tpu.memref_squeeze %dma_wait3A_99 : memref<1x128xi32, #tpu.memory_space<vmem>> -> memref<128xi32, #tpu.memory_space<vmem>>
    %dma_wait3A_101 = tpu.memref_slice %arg2[%add3A_49] : memref<16384xi32, #tpu.memory_space<hbm>> -> memref<128xi32, #tpu.memory_space<hbm>>
    tpu.wait_dma2 semaphore(%arg19 : memref<!tpu.dma_semaphore, #tpu.memory_space<semaphore_mem>>) src(%dma_wait3A_101 : memref<128xi32, #tpu.memory_space<hbm>>) dst(%dma_wait3A_100 : memref<128xi32, #tpu.memory_space<vmem>>)
    %broadcast_in_dim3A = arith.constant 0.000000e+00 : f32
    %broadcast_in_dim3A_102 = vector.broadcast %broadcast_in_dim3A : f32 to vector<16xf32>
    %scan3A = arith.constant 0 : i32
    %scan3A_103 = arith.constant 64 : i32
    %scan3A_104 = arith.addi %scan3A, %scan3A_103 : i32
    %scan3A_105 = arith.constant 1 : i32
    %scan3A_106:2 = scf.for %scan3A_344 = %scan3A to %scan3A_104 step %scan3A_105 iter_args(%scan3A_345 = %broadcast_in_dim3A_102, %scan3A_346 = %broadcast_in_dim3A_102) -> (vector<16xf32>, vector<16xf32>)  : i32 {
      %mul3A_347 = arith.constant 16 : i32
      %mul3A_348 = arith.muli %scan3A_344, %mul3A_347 : i32
      %get3A = arith.index_cast %mul3A_348 : i32 to index
      %get3A_349 = tpu.vector_load %arg9[%get3A] {strides = array<i32>} : memref<1024xf32, #tpu.memory_space<vmem>>, vector<16xf32>,
      %add3A_350 = arith.addf %scan3A_345, %get3A_349 : vector<16xf32>
      %mul3A_351 = arith.mulf %get3A_349, %get3A_349 : vector<16xf32>
      %add3A_352 = arith.addf %scan3A_346, %mul3A_351 : vector<16xf32>
      scf.yield %add3A_350, %add3A_352 : vector<16xf32>, vector<16xf32>
    }
    %scan3A_107 = arith.constant 64 : i32
    %swap3A = arith.constant 0 : index
    %swap3A_108 = tpu.vector_load %arg16[%swap3A] {strides = array<i32>} : memref<32xf32, #tpu.memory_space<vmem>>, vector<16xf32>,
    tpu.vector_store %arg16[%swap3A], %scan3A_106#0 {strides = array<i32>} : memref<32xf32, #tpu.memory_space<vmem>>, vector<16xf32>,
    %swap3A_109 = arith.constant 16 : index
    %swap3A_110 = tpu.vector_load %arg16[%swap3A_109] {strides = array<i32>} : memref<32xf32, #tpu.memory_space<vmem>>, vector<16xf32>,
    tpu.vector_store %arg16[%swap3A_109], %scan3A_106#1 {strides = array<i32>} : memref<32xf32, #tpu.memory_space<vmem>>, vector<16xf32>,
    %mul3A_111 = arith.constant 2 : i32
    %mul3A_112 = arith.muli %arg1, %mul3A_111 : i32
    %mul3A_113 = arith.constant 16 : i32
    %mul3A_114 = arith.muli %mul3A_112, %mul3A_113 : i32
    "tpu.region"() ({
      %run_scoped3A = tpu.sem_alloc : memref<!tpu.dma_semaphore, #tpu.memory_space<semaphore_mem>>
      %dma_start3A_344 = tpu.memref_slice %arg18[%mul3A_114] : memref<512xf32, #tpu.memory_space<vmem_shared>> -> memref<32xf32, #tpu.memory_space<vmem_shared>>
      %dma_start3A_345 = tpu.memref_slice %arg18[%mul3A_114] : memref<512xf32, #tpu.memory_space<vmem_shared>> -> memref<32xf32, #tpu.memory_space<vmem_shared>>
      tpu.enqueue_dma source(%arg16 : memref<32xf32, #tpu.memory_space<vmem>>) target(%dma_start3A_345 : memref<32xf32, #tpu.memory_space<vmem_shared>>) target_semaphore(%run_scoped3A : memref<!tpu.dma_semaphore, #tpu.memory_space<semaphore_mem>>)
      %dma_wait3A_346 = tpu.memref_slice %arg18[%mul3A_114] : memref<512xf32, #tpu.memory_space<vmem_shared>> -> memref<32xf32, #tpu.memory_space<vmem_shared>>
      %dma_wait3A_347 = tpu.memref_slice %arg18[%mul3A_114] : memref<512xf32, #tpu.memory_space<vmem_shared>> -> memref<32xf32, #tpu.memory_space<vmem_shared>>
      tpu.wait_dma2 semaphore(%run_scoped3A : memref<!tpu.dma_semaphore, #tpu.memory_space<semaphore_mem>>) src(%arg16 : memref<32xf32, #tpu.memory_space<vmem>>) dst(%dma_wait3A_347 : memref<32xf32, #tpu.memory_space<vmem_shared>>)
      tpu.yield
    }) : () -> ()
    %broadcast_in_dim3A_115 = arith.constant 0 : i32
    %broadcast_in_dim3A_116 = vector.broadcast %broadcast_in_dim3A_115 : i32 to vector<16xi32>
    %broadcast_in_dim3A_117 = arith.constant 16 : i32
    %broadcast_in_dim3A_118 = vector.broadcast %broadcast_in_dim3A_117 : i32 to vector<16xi32>
    %gather3A = tpu.vector_load_idx %arg12[%broadcast_in_dim3A_116, %broadcast_in_dim3A_118] : memref<16x128xf32, #tpu.memory_space<vmem>>[vector<16xi32>, vector<16xi32>], vector<16xf32>,
    %broadcast_in_dim3A_119 = arith.constant 1 : i32
    %broadcast_in_dim3A_120 = vector.broadcast %broadcast_in_dim3A_119 : i32 to vector<16xi32>
    %broadcast_in_dim3A_121 = arith.constant 16 : i32
    %broadcast_in_dim3A_122 = vector.broadcast %broadcast_in_dim3A_121 : i32 to vector<16xi32>
    %gather3A_123 = tpu.vector_load_idx %arg12[%broadcast_in_dim3A_120, %broadcast_in_dim3A_122] : memref<16x128xf32, #tpu.memory_space<vmem>>[vector<16xi32>, vector<16xi32>], vector<16xf32>,
    %broadcast_in_dim3A_124 = arith.constant 2 : i32
    %broadcast_in_dim3A_125 = vector.broadcast %broadcast_in_dim3A_124 : i32 to vector<16xi32>
    %broadcast_in_dim3A_126 = arith.constant 16 : i32
    %broadcast_in_dim3A_127 = vector.broadcast %broadcast_in_dim3A_126 : i32 to vector<16xi32>
    %gather3A_128 = tpu.vector_load_idx %arg12[%broadcast_in_dim3A_125, %broadcast_in_dim3A_127] : memref<16x128xf32, #tpu.memory_space<vmem>>[vector<16xi32>, vector<16xi32>], vector<16xf32>,
    %broadcast_in_dim3A_129 = arith.constant 3 : i32
    %broadcast_in_dim3A_130 = vector.broadcast %broadcast_in_dim3A_129 : i32 to vector<16xi32>
    %broadcast_in_dim3A_131 = arith.constant 16 : i32
    %broadcast_in_dim3A_132 = vector.broadcast %broadcast_in_dim3A_131 : i32 to vector<16xi32>
    %gather3A_133 = tpu.vector_load_idx %arg12[%broadcast_in_dim3A_130, %broadcast_in_dim3A_132] : memref<16x128xf32, #tpu.memory_space<vmem>>[vector<16xi32>, vector<16xi32>], vector<16xf32>,
    %broadcast_in_dim3A_134 = arith.constant 4 : i32
    %broadcast_in_dim3A_135 = vector.broadcast %broadcast_in_dim3A_134 : i32 to vector<16xi32>
    %broadcast_in_dim3A_136 = arith.constant 16 : i32
    %broadcast_in_dim3A_137 = vector.broadcast %broadcast_in_dim3A_136 : i32 to vector<16xi32>
    %gather3A_138 = tpu.vector_load_idx %arg12[%broadcast_in_dim3A_135, %broadcast_in_dim3A_137] : memref<16x128xf32, #tpu.memory_space<vmem>>[vector<16xi32>, vector<16xi32>], vector<16xf32>,
    %broadcast_in_dim3A_139 = arith.constant 5 : i32
    %broadcast_in_dim3A_140 = vector.broadcast %broadcast_in_dim3A_139 : i32 to vector<16xi32>
    %broadcast_in_dim3A_141 = arith.constant 16 : i32
    %broadcast_in_dim3A_142 = vector.broadcast %broadcast_in_dim3A_141 : i32 to vector<16xi32>
    %gather3A_143 = tpu.vector_load_idx %arg12[%broadcast_in_dim3A_140, %broadcast_in_dim3A_142] : memref<16x128xf32, #tpu.memory_space<vmem>>[vector<16xi32>, vector<16xi32>], vector<16xf32>,
    %broadcast_in_dim3A_144 = arith.constant 6 : i32
    %broadcast_in_dim3A_145 = vector.broadcast %broadcast_in_dim3A_144 : i32 to vector<16xi32>
    %broadcast_in_dim3A_146 = arith.constant 16 : i32
    %broadcast_in_dim3A_147 = vector.broadcast %broadcast_in_dim3A_146 : i32 to vector<16xi32>
    %gather3A_148 = tpu.vector_load_idx %arg12[%broadcast_in_dim3A_145, %broadcast_in_dim3A_147] : memref<16x128xf32, #tpu.memory_space<vmem>>[vector<16xi32>, vector<16xi32>], vector<16xf32>,
    %broadcast_in_dim3A_149 = arith.constant 7 : i32
    %broadcast_in_dim3A_150 = vector.broadcast %broadcast_in_dim3A_149 : i32 to vector<16xi32>
    %broadcast_in_dim3A_151 = arith.constant 16 : i32
    %broadcast_in_dim3A_152 = vector.broadcast %broadcast_in_dim3A_151 : i32 to vector<16xi32>
    %gather3A_153 = tpu.vector_load_idx %arg12[%broadcast_in_dim3A_150, %broadcast_in_dim3A_152] : memref<16x128xf32, #tpu.memory_space<vmem>>[vector<16xi32>, vector<16xi32>], vector<16xf32>,
    %broadcast_in_dim3A_154 = arith.constant 8 : i32
    %broadcast_in_dim3A_155 = vector.broadcast %broadcast_in_dim3A_154 : i32 to vector<16xi32>
    %broadcast_in_dim3A_156 = arith.constant 16 : i32
    %broadcast_in_dim3A_157 = vector.broadcast %broadcast_in_dim3A_156 : i32 to vector<16xi32>
    %gather3A_158 = tpu.vector_load_idx %arg12[%broadcast_in_dim3A_155, %broadcast_in_dim3A_157] : memref<16x128xf32, #tpu.memory_space<vmem>>[vector<16xi32>, vector<16xi32>], vector<16xf32>,
    %broadcast_in_dim3A_159 = arith.constant 9 : i32
    %broadcast_in_dim3A_160 = vector.broadcast %broadcast_in_dim3A_159 : i32 to vector<16xi32>
    %broadcast_in_dim3A_161 = arith.constant 16 : i32
    %broadcast_in_dim3A_162 = vector.broadcast %broadcast_in_dim3A_161 : i32 to vector<16xi32>
    %gather3A_163 = tpu.vector_load_idx %arg12[%broadcast_in_dim3A_160, %broadcast_in_dim3A_162] : memref<16x128xf32, #tpu.memory_space<vmem>>[vector<16xi32>, vector<16xi32>], vector<16xf32>,
    %scan3A_164 = arith.constant 0 : i32
    %scan3A_165 = arith.constant 0 : i32
    %scan3A_166 = arith.constant 4 : i32
    %scan3A_167 = arith.addi %scan3A_165, %scan3A_166 : i32
    %scan3A_168 = arith.constant 1 : i32
    scf.for %scan3A_344 = %scan3A_165 to %scan3A_167 step %scan3A_168  : i32 {
      %mul3A_345 = arith.constant 16 : i32
      %mul3A_346 = arith.muli %scan3A_344, %mul3A_345 : i32
      %add3A_347 = vector.broadcast %mul3A_346 : i32 to vector<16xi32>
      %add3A_348 = arith.addi %add3A_347, %iota3A : vector<16xi32>
      %broadcast_in_dim3A_349 = arith.constant 0 : i32
      %broadcast_in_dim3A_350 = vector.broadcast %broadcast_in_dim3A_349 : i32 to vector<16xi32>
      %gather3A_351 = tpu.vector_load_idx %arg11[%add3A_348, %broadcast_in_dim3A_350] : memref<64x128xf32, #tpu.memory_space<vmem>>[vector<16xi32>, vector<16xi32>], vector<16xf32>,
      %max3A = arith.constant 0.000000e+00 : f32
      %max3A_352 = vector.broadcast %max3A : f32 to vector<16xf32>
      %max3A_353 = arith.maximumf %gather3A_351, %max3A_352 : vector<16xf32>
      %broadcast_in_dim3A_354 = arith.constant 1 : i32
      %broadcast_in_dim3A_355 = vector.broadcast %broadcast_in_dim3A_354 : i32 to vector<16xi32>
      %gather3A_356 = tpu.vector_load_idx %arg11[%add3A_348, %broadcast_in_dim3A_355] : memref<64x128xf32, #tpu.memory_space<vmem>>[vector<16xi32>, vector<16xi32>], vector<16xf32>,
      %max3A_357 = arith.constant 0.000000e+00 : f32
      %max3A_358 = vector.broadcast %max3A_357 : f32 to vector<16xf32>
      %max3A_359 = arith.maximumf %gather3A_356, %max3A_358 : vector<16xf32>
      %broadcast_in_dim3A_360 = arith.constant 2 : i32
      %broadcast_in_dim3A_361 = vector.broadcast %broadcast_in_dim3A_360 : i32 to vector<16xi32>
      %gather3A_362 = tpu.vector_load_idx %arg11[%add3A_348, %broadcast_in_dim3A_361] : memref<64x128xf32, #tpu.memory_space<vmem>>[vector<16xi32>, vector<16xi32>], vector<16xf32>,
      %max3A_363 = arith.constant 0.000000e+00 : f32
      %max3A_364 = vector.broadcast %max3A_363 : f32 to vector<16xf32>
      %max3A_365 = arith.maximumf %gather3A_362, %max3A_364 : vector<16xf32>
      %broadcast_in_dim3A_366 = arith.constant 3 : i32
      %broadcast_in_dim3A_367 = vector.broadcast %broadcast_in_dim3A_366 : i32 to vector<16xi32>
      %gather3A_368 = tpu.vector_load_idx %arg11[%add3A_348, %broadcast_in_dim3A_367] : memref<64x128xf32, #tpu.memory_space<vmem>>[vector<16xi32>, vector<16xi32>], vector<16xf32>,
      %max3A_369 = arith.constant 0.000000e+00 : f32
      %max3A_370 = vector.broadcast %max3A_369 : f32 to vector<16xf32>
      %max3A_371 = arith.maximumf %gather3A_368, %max3A_370 : vector<16xf32>
      %broadcast_in_dim3A_372 = arith.constant 4 : i32
      %broadcast_in_dim3A_373 = vector.broadcast %broadcast_in_dim3A_372 : i32 to vector<16xi32>
      %gather3A_374 = tpu.vector_load_idx %arg11[%add3A_348, %broadcast_in_dim3A_373] : memref<64x128xf32, #tpu.memory_space<vmem>>[vector<16xi32>, vector<16xi32>], vector<16xf32>,
      %max3A_375 = arith.constant 0.000000e+00 : f32
      %max3A_376 = vector.broadcast %max3A_375 : f32 to vector<16xf32>
      %max3A_377 = arith.maximumf %gather3A_374, %max3A_376 : vector<16xf32>
      %broadcast_in_dim3A_378 = arith.constant 5 : i32
      %broadcast_in_dim3A_379 = vector.broadcast %broadcast_in_dim3A_378 : i32 to vector<16xi32>
      %gather3A_380 = tpu.vector_load_idx %arg11[%add3A_348, %broadcast_in_dim3A_379] : memref<64x128xf32, #tpu.memory_space<vmem>>[vector<16xi32>, vector<16xi32>], vector<16xf32>,
      %max3A_381 = arith.constant 0.000000e+00 : f32
      %max3A_382 = vector.broadcast %max3A_381 : f32 to vector<16xf32>
      %max3A_383 = arith.maximumf %gather3A_380, %max3A_382 : vector<16xf32>
      %broadcast_in_dim3A_384 = arith.constant 6 : i32
      %broadcast_in_dim3A_385 = vector.broadcast %broadcast_in_dim3A_384 : i32 to vector<16xi32>
      %gather3A_386 = tpu.vector_load_idx %arg11[%add3A_348, %broadcast_in_dim3A_385] : memref<64x128xf32, #tpu.memory_space<vmem>>[vector<16xi32>, vector<16xi32>], vector<16xf32>,
      %max3A_387 = arith.constant 0.000000e+00 : f32
      %max3A_388 = vector.broadcast %max3A_387 : f32 to vector<16xf32>
      %max3A_389 = arith.maximumf %gather3A_386, %max3A_388 : vector<16xf32>
      %broadcast_in_dim3A_390 = arith.constant 7 : i32
      %broadcast_in_dim3A_391 = vector.broadcast %broadcast_in_dim3A_390 : i32 to vector<16xi32>
      %gather3A_392 = tpu.vector_load_idx %arg11[%add3A_348, %broadcast_in_dim3A_391] : memref<64x128xf32, #tpu.memory_space<vmem>>[vector<16xi32>, vector<16xi32>], vector<16xf32>,
      %max3A_393 = arith.constant 0.000000e+00 : f32
      %max3A_394 = vector.broadcast %max3A_393 : f32 to vector<16xf32>
      %max3A_395 = arith.maximumf %gather3A_392, %max3A_394 : vector<16xf32>
      %broadcast_in_dim3A_396 = arith.constant 8 : i32
      %broadcast_in_dim3A_397 = vector.broadcast %broadcast_in_dim3A_396 : i32 to vector<16xi32>
      %gather3A_398 = tpu.vector_load_idx %arg11[%add3A_348, %broadcast_in_dim3A_397] : memref<64x128xf32, #tpu.memory_space<vmem>>[vector<16xi32>, vector<16xi32>], vector<16xf32>,
      %max3A_399 = arith.constant 0.000000e+00 : f32
      %max3A_400 = vector.broadcast %max3A_399 : f32 to vector<16xf32>
      %max3A_401 = arith.maximumf %gather3A_398, %max3A_400 : vector<16xf32>
      %broadcast_in_dim3A_402 = arith.constant 9 : i32
      %broadcast_in_dim3A_403 = vector.broadcast %broadcast_in_dim3A_402 : i32 to vector<16xi32>
      %gather3A_404 = tpu.vector_load_idx %arg11[%add3A_348, %broadcast_in_dim3A_403] : memref<64x128xf32, #tpu.memory_space<vmem>>[vector<16xi32>, vector<16xi32>], vector<16xf32>,
      %max3A_405 = arith.constant 0.000000e+00 : f32
      %max3A_406 = vector.broadcast %max3A_405 : f32 to vector<16xf32>
      %max3A_407 = arith.maximumf %gather3A_404, %max3A_406 : vector<16xf32>
      %broadcast_in_dim3A_408 = arith.constant 10 : i32
      %broadcast_in_dim3A_409 = vector.broadcast %broadcast_in_dim3A_408 : i32 to vector<16xi32>
      %gather3A_410 = tpu.vector_load_idx %arg11[%add3A_348, %broadcast_in_dim3A_409] : memref<64x128xf32, #tpu.memory_space<vmem>>[vector<16xi32>, vector<16xi32>], vector<16xf32>,
      %max3A_411 = arith.constant 0.000000e+00 : f32
      %max3A_412 = vector.broadcast %max3A_411 : f32 to vector<16xf32>
      %max3A_413 = arith.maximumf %gather3A_410, %max3A_412 : vector<16xf32>
      %broadcast_in_dim3A_414 = arith.constant 11 : i32
      %broadcast_in_dim3A_415 = vector.broadcast %broadcast_in_dim3A_414 : i32 to vector<16xi32>
      %gather3A_416 = tpu.vector_load_idx %arg11[%add3A_348, %broadcast_in_dim3A_415] : memref<64x128xf32, #tpu.memory_space<vmem>>[vector<16xi32>, vector<16xi32>], vector<16xf32>,
      %max3A_417 = arith.constant 0.000000e+00 : f32
      %max3A_418 = vector.broadcast %max3A_417 : f32 to vector<16xf32>
      %max3A_419 = arith.maximumf %gather3A_416, %max3A_418 : vector<16xf32>
      %broadcast_in_dim3A_420 = arith.constant 12 : i32
      %broadcast_in_dim3A_421 = vector.broadcast %broadcast_in_dim3A_420 : i32 to vector<16xi32>
      %gather3A_422 = tpu.vector_load_idx %arg11[%add3A_348, %broadcast_in_dim3A_421] : memref<64x128xf32, #tpu.memory_space<vmem>>[vector<16xi32>, vector<16xi32>], vector<16xf32>,
      %max3A_423 = arith.constant 0.000000e+00 : f32
      %max3A_424 = vector.broadcast %max3A_423 : f32 to vector<16xf32>
      %max3A_425 = arith.maximumf %gather3A_422, %max3A_424 : vector<16xf32>
      %broadcast_in_dim3A_426 = arith.constant 13 : i32
      %broadcast_in_dim3A_427 = vector.broadcast %broadcast_in_dim3A_426 : i32 to vector<16xi32>
      %gather3A_428 = tpu.vector_load_idx %arg11[%add3A_348, %broadcast_in_dim3A_427] : memref<64x128xf32, #tpu.memory_space<vmem>>[vector<16xi32>, vector<16xi32>], vector<16xf32>,
      %max3A_429 = arith.constant 0.000000e+00 : f32
      %max3A_430 = vector.broadcast %max3A_429 : f32 to vector<16xf32>
      %max3A_431 = arith.maximumf %gather3A_428, %max3A_430 : vector<16xf32>
      %broadcast_in_dim3A_432 = arith.constant 14 : i32
      %broadcast_in_dim3A_433 = vector.broadcast %broadcast_in_dim3A_432 : i32 to vector<16xi32>
      %gather3A_434 = tpu.vector_load_idx %arg11[%add3A_348, %broadcast_in_dim3A_433] : memref<64x128xf32, #tpu.memory_space<vmem>>[vector<16xi32>, vector<16xi32>], vector<16xf32>,
      %max3A_435 = arith.constant 0.000000e+00 : f32
      %max3A_436 = vector.broadcast %max3A_435 : f32 to vector<16xf32>
      %max3A_437 = arith.maximumf %gather3A_434, %max3A_436 : vector<16xf32>
      %broadcast_in_dim3A_438 = arith.constant 15 : i32
      %broadcast_in_dim3A_439 = vector.broadcast %broadcast_in_dim3A_438 : i32 to vector<16xi32>
      %gather3A_440 = tpu.vector_load_idx %arg11[%add3A_348, %broadcast_in_dim3A_439] : memref<64x128xf32, #tpu.memory_space<vmem>>[vector<16xi32>, vector<16xi32>], vector<16xf32>,
      %max3A_441 = arith.constant 0.000000e+00 : f32
      %max3A_442 = vector.broadcast %max3A_441 : f32 to vector<16xf32>
      %max3A_443 = arith.maximumf %gather3A_440, %max3A_442 : vector<16xf32>
      %scan3A_444 = arith.constant 0 : i32
      %scan3A_445 = arith.constant 0 : i32
      %scan3A_446 = arith.constant 10 : i32
      %scan3A_447 = arith.addi %scan3A_445, %scan3A_446 : i32
      %scan3A_448 = arith.constant 1 : i32
      scf.for %scan3A_450 = %scan3A_445 to %scan3A_447 step %scan3A_448  : i32 {
        %broadcast_in_dim3A_451 = vector.broadcast %scan3A_450 : i32 to vector<16xi32>
        %gather3A_452 = tpu.vector_load_idx %arg12[%broadcast_in_dim3A_451, %iota3A] : memref<16x128xf32, #tpu.memory_space<vmem>>[vector<16xi32>, vector<16xi32>], vector<16xf32>,
        %broadcast_in_dim3A_453 = arith.constant 10 : i32
        %broadcast_in_dim3A_454 = vector.broadcast %broadcast_in_dim3A_453 : i32 to vector<16xi32>
        %gather3A_455 = tpu.vector_load_idx %arg12[%broadcast_in_dim3A_454, %broadcast_in_dim3A_451] : memref<16x128xf32, #tpu.memory_space<vmem>>[vector<16xi32>, vector<16xi32>], vector<16xf32>,
        %slice3A = vector.extract_strided_slice %gather3A_452 {offsets = [0], sizes = [1], strides = [1]} : vector<16xf32> to vector<1xf32>
        %squeeze3A = vector.extract %slice3A[0] : f32 from vector<1xf32>
        %mul3A_456 = vector.broadcast %squeeze3A : f32 to vector<16xf32>
        %mul3A_457 = arith.mulf %max3A_353, %mul3A_456 : vector<16xf32>
        %add3A_458 = arith.addf %gather3A_455, %mul3A_457 : vector<16xf32>
        %slice3A_459 = vector.extract_strided_slice %gather3A_452 {offsets = [1], sizes = [1], strides = [1]} : vector<16xf32> to vector<1xf32>
        %squeeze3A_460 = vector.extract %slice3A_459[0] : f32 from vector<1xf32>
        %mul3A_461 = vector.broadcast %squeeze3A_460 : f32 to vector<16xf32>
        %mul3A_462 = arith.mulf %max3A_359, %mul3A_461 : vector<16xf32>
        %add3A_463 = arith.addf %add3A_458, %mul3A_462 : vector<16xf32>
        %slice3A_464 = vector.extract_strided_slice %gather3A_452 {offsets = [2], sizes = [1], strides = [1]} : vector<16xf32> to vector<1xf32>
        %squeeze3A_465 = vector.extract %slice3A_464[0] : f32 from vector<1xf32>
        %mul3A_466 = vector.broadcast %squeeze3A_465 : f32 to vector<16xf32>
        %mul3A_467 = arith.mulf %max3A_365, %mul3A_466 : vector<16xf32>
        %add3A_468 = arith.addf %add3A_463, %mul3A_467 : vector<16xf32>
        %slice3A_469 = vector.extract_strided_slice %gather3A_452 {offsets = [3], sizes = [1], strides = [1]} : vector<16xf32> to vector<1xf32>
        %squeeze3A_470 = vector.extract %slice3A_469[0] : f32 from vector<1xf32>
        %mul3A_471 = vector.broadcast %squeeze3A_470 : f32 to vector<16xf32>
        %mul3A_472 = arith.mulf %max3A_371, %mul3A_471 : vector<16xf32>
        %add3A_473 = arith.addf %add3A_468, %mul3A_472 : vector<16xf32>
        %slice3A_474 = vector.extract_strided_slice %gather3A_452 {offsets = [4], sizes = [1], strides = [1]} : vector<16xf32> to vector<1xf32>
        %squeeze3A_475 = vector.extract %slice3A_474[0] : f32 from vector<1xf32>
        %mul3A_476 = vector.broadcast %squeeze3A_475 : f32 to vector<16xf32>
        %mul3A_477 = arith.mulf %max3A_377, %mul3A_476 : vector<16xf32>
        %add3A_478 = arith.addf %add3A_473, %mul3A_477 : vector<16xf32>
        %slice3A_479 = vector.extract_strided_slice %gather3A_452 {offsets = [5], sizes = [1], strides = [1]} : vector<16xf32> to vector<1xf32>
        %squeeze3A_480 = vector.extract %slice3A_479[0] : f32 from vector<1xf32>
        %mul3A_481 = vector.broadcast %squeeze3A_480 : f32 to vector<16xf32>
        %mul3A_482 = arith.mulf %max3A_383, %mul3A_481 : vector<16xf32>
        %add3A_483 = arith.addf %add3A_478, %mul3A_482 : vector<16xf32>
        %slice3A_484 = vector.extract_strided_slice %gather3A_452 {offsets = [6], sizes = [1], strides = [1]} : vector<16xf32> to vector<1xf32>
        %squeeze3A_485 = vector.extract %slice3A_484[0] : f32 from vector<1xf32>
        %mul3A_486 = vector.broadcast %squeeze3A_485 : f32 to vector<16xf32>
        %mul3A_487 = arith.mulf %max3A_389, %mul3A_486 : vector<16xf32>
        %add3A_488 = arith.addf %add3A_483, %mul3A_487 : vector<16xf32>
        %slice3A_489 = vector.extract_strided_slice %gather3A_452 {offsets = [7], sizes = [1], strides = [1]} : vector<16xf32> to vector<1xf32>
        %squeeze3A_490 = vector.extract %slice3A_489[0] : f32 from vector<1xf32>
        %mul3A_491 = vector.broadcast %squeeze3A_490 : f32 to vector<16xf32>
        %mul3A_492 = arith.mulf %max3A_395, %mul3A_491 : vector<16xf32>
        %add3A_493 = arith.addf %add3A_488, %mul3A_492 : vector<16xf32>
        %slice3A_494 = vector.extract_strided_slice %gather3A_452 {offsets = [8], sizes = [1], strides = [1]} : vector<16xf32> to vector<1xf32>
        %squeeze3A_495 = vector.extract %slice3A_494[0] : f32 from vector<1xf32>
        %mul3A_496 = vector.broadcast %squeeze3A_495 : f32 to vector<16xf32>
        %mul3A_497 = arith.mulf %max3A_401, %mul3A_496 : vector<16xf32>
        %add3A_498 = arith.addf %add3A_493, %mul3A_497 : vector<16xf32>
        %slice3A_499 = vector.extract_strided_slice %gather3A_452 {offsets = [9], sizes = [1], strides = [1]} : vector<16xf32> to vector<1xf32>
        %squeeze3A_500 = vector.extract %slice3A_499[0] : f32 from vector<1xf32>
        %mul3A_501 = vector.broadcast %squeeze3A_500 : f32 to vector<16xf32>
        %mul3A_502 = arith.mulf %max3A_407, %mul3A_501 : vector<16xf32>
        %add3A_503 = arith.addf %add3A_498, %mul3A_502 : vector<16xf32>
        %slice3A_504 = vector.extract_strided_slice %gather3A_452 {offsets = [10], sizes = [1], strides = [1]} : vector<16xf32> to vector<1xf32>
        %squeeze3A_505 = vector.extract %slice3A_504[0] : f32 from vector<1xf32>
        %mul3A_506 = vector.broadcast %squeeze3A_505 : f32 to vector<16xf32>
        %mul3A_507 = arith.mulf %max3A_413, %mul3A_506 : vector<16xf32>
        %add3A_508 = arith.addf %add3A_503, %mul3A_507 : vector<16xf32>
        %slice3A_509 = vector.extract_strided_slice %gather3A_452 {offsets = [11], sizes = [1], strides = [1]} : vector<16xf32> to vector<1xf32>
        %squeeze3A_510 = vector.extract %slice3A_509[0] : f32 from vector<1xf32>
        %mul3A_511 = vector.broadcast %squeeze3A_510 : f32 to vector<16xf32>
        %mul3A_512 = arith.mulf %max3A_419, %mul3A_511 : vector<16xf32>
        %add3A_513 = arith.addf %add3A_508, %mul3A_512 : vector<16xf32>
        %slice3A_514 = vector.extract_strided_slice %gather3A_452 {offsets = [12], sizes = [1], strides = [1]} : vector<16xf32> to vector<1xf32>
        %squeeze3A_515 = vector.extract %slice3A_514[0] : f32 from vector<1xf32>
        %mul3A_516 = vector.broadcast %squeeze3A_515 : f32 to vector<16xf32>
        %mul3A_517 = arith.mulf %max3A_425, %mul3A_516 : vector<16xf32>
        %add3A_518 = arith.addf %add3A_513, %mul3A_517 : vector<16xf32>
        %slice3A_519 = vector.extract_strided_slice %gather3A_452 {offsets = [13], sizes = [1], strides = [1]} : vector<16xf32> to vector<1xf32>
        %squeeze3A_520 = vector.extract %slice3A_519[0] : f32 from vector<1xf32>
        %mul3A_521 = vector.broadcast %squeeze3A_520 : f32 to vector<16xf32>
        %mul3A_522 = arith.mulf %max3A_431, %mul3A_521 : vector<16xf32>
        %add3A_523 = arith.addf %add3A_518, %mul3A_522 : vector<16xf32>
        %slice3A_524 = vector.extract_strided_slice %gather3A_452 {offsets = [14], sizes = [1], strides = [1]} : vector<16xf32> to vector<1xf32>
        %squeeze3A_525 = vector.extract %slice3A_524[0] : f32 from vector<1xf32>
        %mul3A_526 = vector.broadcast %squeeze3A_525 : f32 to vector<16xf32>
        %mul3A_527 = arith.mulf %max3A_437, %mul3A_526 : vector<16xf32>
        %add3A_528 = arith.addf %add3A_523, %mul3A_527 : vector<16xf32>
        %slice3A_529 = vector.extract_strided_slice %gather3A_452 {offsets = [15], sizes = [1], strides = [1]} : vector<16xf32> to vector<1xf32>
        %squeeze3A_530 = vector.extract %slice3A_529[0] : f32 from vector<1xf32>
        %mul3A_531 = vector.broadcast %squeeze3A_530 : f32 to vector<16xf32>
        %mul3A_532 = arith.mulf %max3A_443, %mul3A_531 : vector<16xf32>
        %add3A_533 = arith.addf %add3A_528, %mul3A_532 : vector<16xf32>
        tpu.vector_store_idx %arg13[%add3A_348, %broadcast_in_dim3A_451], %add3A_533 : memref<64x16xf32, #tpu.memory_space<vmem>>[vector<16xi32>, vector<16xi32>], vector<16xf32>,
      }
      %scan3A_449 = arith.constant 10 : i32
    }
    %scan3A_169 = arith.constant 4 : i32
    %lt3A = arith.constant 15 : i32
    %lt3A_170 = arith.cmpi slt, %arg1, %lt3A : i32
    %convert_element_type3A = arith.extui %lt3A_170 : i1 to i32
    %cond3A = arith.constant 0 : i32
    %cond3A_171 = arith.cmpi ne, %convert_element_type3A, %cond3A : i32
    scf.if %cond3A_171 {
      %mul3A_344 = arith.constant 64 : i32
      %mul3A_345 = arith.muli %arg1, %mul3A_344 : i32
      "tpu.region"() ({
        %run_scoped3A = tpu.sem_alloc : memref<!tpu.dma_semaphore, #tpu.memory_space<semaphore_mem>>
        %dma_start3A_346 = arith.constant 0 : i32
        %dma_start3A_347 = tpu.memref_slice %arg7[%mul3A_345, %dma_start3A_346] : memref<1000x16xf32, #tpu.memory_space<hbm>> -> memref<64x16xf32, #tpu.memory_space<hbm>>
        %dma_start3A_348 = arith.constant 0 : i32
        %dma_start3A_349 = tpu.memref_slice %arg7[%mul3A_345, %dma_start3A_348] : memref<1000x16xf32, #tpu.memory_space<hbm>> -> memref<64x16xf32, #tpu.memory_space<hbm>>
        tpu.enqueue_dma source(%arg13 : memref<64x16xf32, #tpu.memory_space<vmem>>) target(%dma_start3A_349 : memref<64x16xf32, #tpu.memory_space<hbm>>) target_semaphore(%run_scoped3A : memref<!tpu.dma_semaphore, #tpu.memory_space<semaphore_mem>>)
        %dma_wait3A_350 = arith.constant 0 : i32
        %dma_wait3A_351 = tpu.memref_slice %arg7[%mul3A_345, %dma_wait3A_350] : memref<1000x16xf32, #tpu.memory_space<hbm>> -> memref<64x16xf32, #tpu.memory_space<hbm>>
        %dma_wait3A_352 = arith.constant 0 : i32
        %dma_wait3A_353 = tpu.memref_slice %arg7[%mul3A_345, %dma_wait3A_352] : memref<1000x16xf32, #tpu.memory_space<hbm>> -> memref<64x16xf32, #tpu.memory_space<hbm>>
        tpu.wait_dma2 semaphore(%run_scoped3A : memref<!tpu.dma_semaphore, #tpu.memory_space<semaphore_mem>>) src(%arg13 : memref<64x16xf32, #tpu.memory_space<vmem>>) dst(%dma_wait3A_353 : memref<64x16xf32, #tpu.memory_space<hbm>>)
        tpu.yield
      }) : () -> ()
    } else {
    }
    %eq3A = arith.constant 15 : i32
    %eq3A_172 = arith.cmpi eq, %arg1, %eq3A : i32
    %convert_element_type3A_173 = arith.extui %eq3A_172 : i1 to i32
    %cond3A_174 = arith.constant 0 : i32
    %cond3A_175 = arith.cmpi ne, %convert_element_type3A_173, %cond3A_174 : i32
    scf.if %cond3A_175 {
      "tpu.region"() ({
        %run_scoped3A = tpu.sem_alloc : memref<!tpu.dma_semaphore, #tpu.memory_space<semaphore_mem>>
        %dma_start3A_344 = arith.constant 24 : i32
        %dma_start3A_345 = arith.constant 0 : i32
        %dma_start3A_346 = tpu.memref_slice %arg13[%dma_start3A_344, %dma_start3A_345] : memref<64x16xf32, #tpu.memory_space<vmem>> -> memref<40x16xf32, #tpu.memory_space<vmem>>
        %dma_start3A_347 = arith.constant 960 : i32
        %dma_start3A_348 = arith.constant 0 : i32
        %dma_start3A_349 = tpu.memref_slice %arg7[%dma_start3A_347, %dma_start3A_348] : memref<1000x16xf32, #tpu.memory_space<hbm>> -> memref<40x16xf32, #tpu.memory_space<hbm>>
        %dma_start3A_350 = arith.constant 960 : i32
        %dma_start3A_351 = arith.constant 0 : i32
        %dma_start3A_352 = tpu.memref_slice %arg7[%dma_start3A_350, %dma_start3A_351] : memref<1000x16xf32, #tpu.memory_space<hbm>> -> memref<40x16xf32, #tpu.memory_space<hbm>>
        %dma_start3A_353 = arith.constant 24 : i32
        %dma_start3A_354 = arith.constant 0 : i32
        %dma_start3A_355 = tpu.memref_slice %arg13[%dma_start3A_353, %dma_start3A_354] : memref<64x16xf32, #tpu.memory_space<vmem>> -> memref<40x16xf32, #tpu.memory_space<vmem>>
        tpu.enqueue_dma source(%dma_start3A_355 : memref<40x16xf32, #tpu.memory_space<vmem>>) target(%dma_start3A_352 : memref<40x16xf32, #tpu.memory_space<hbm>>) target_semaphore(%run_scoped3A : memref<!tpu.dma_semaphore, #tpu.memory_space<semaphore_mem>>)
        %dma_wait3A_356 = arith.constant 24 : i32
        %dma_wait3A_357 = arith.constant 0 : i32
        %dma_wait3A_358 = tpu.memref_slice %arg13[%dma_wait3A_356, %dma_wait3A_357] : memref<64x16xf32, #tpu.memory_space<vmem>> -> memref<40x16xf32, #tpu.memory_space<vmem>>
        %dma_wait3A_359 = arith.constant 960 : i32
        %dma_wait3A_360 = arith.constant 0 : i32
        %dma_wait3A_361 = tpu.memref_slice %arg7[%dma_wait3A_359, %dma_wait3A_360] : memref<1000x16xf32, #tpu.memory_space<hbm>> -> memref<40x16xf32, #tpu.memory_space<hbm>>
        %dma_wait3A_362 = arith.constant 960 : i32
        %dma_wait3A_363 = arith.constant 0 : i32
        %dma_wait3A_364 = tpu.memref_slice %arg7[%dma_wait3A_362, %dma_wait3A_363] : memref<1000x16xf32, #tpu.memory_space<hbm>> -> memref<40x16xf32, #tpu.memory_space<hbm>>
        %dma_wait3A_365 = arith.constant 24 : i32
        %dma_wait3A_366 = arith.constant 0 : i32
        %dma_wait3A_367 = tpu.memref_slice %arg13[%dma_wait3A_365, %dma_wait3A_366] : memref<64x16xf32, #tpu.memory_space<vmem>> -> memref<40x16xf32, #tpu.memory_space<vmem>>
        tpu.wait_dma2 semaphore(%run_scoped3A : memref<!tpu.dma_semaphore, #tpu.memory_space<semaphore_mem>>) src(%dma_wait3A_367 : memref<40x16xf32, #tpu.memory_space<vmem>>) dst(%dma_wait3A_364 : memref<40x16xf32, #tpu.memory_space<hbm>>)
        tpu.yield
      }) : () -> ()
    } else {
    }
    %barrier3A = arith.constant 0 : index
    tpu.barrier barrier_id(%barrier3A)
    %dma_start3A_176 = arith.constant 0 : i32
    %dma_start3A_177 = arith.constant 0 : i32
    %dma_start3A_178 = arith.constant 0 : i32
    %dma_start3A_179 = tpu.memref_slice %arg14[%dma_start3A_177, %dma_start3A_178] : memref<512x16xf32, #tpu.memory_space<vmem>> -> memref<128x16xf32, #tpu.memory_space<vmem>>
    %dma_start3A_180 = arith.constant 0 : i32
    %dma_start3A_181 = tpu.memref_slice %arg8[%dma_start3A_176, %dma_start3A_180] : memref<4x128xi32, #tpu.memory_space<vmem>> -> memref<1x128xi32, #tpu.memory_space<vmem>>
    %dma_start3A_182 = tpu.memref_squeeze %dma_start3A_181 : memref<1x128xi32, #tpu.memory_space<vmem>> -> memref<128xi32, #tpu.memory_space<vmem>>
    %dma_start3A_183 = arith.constant 0 : i32
    %dma_start3A_184 = arith.constant 0 : i32
    %dma_start3A_185 = tpu.memref_slice %arg7[%dma_start3A_183, %dma_start3A_184] : memref<1000x16xf32, #tpu.memory_space<hbm>> -> memref<1000x16xf32, #tpu.memory_space<hbm>>
    tpu.enqueue_indirect_dma source(%dma_start3A_185 : memref<1000x16xf32, #tpu.memory_space<hbm>>) target(%dma_start3A_179 : memref<128x16xf32, #tpu.memory_space<vmem>>) offsets(%dma_start3A_182 : memref<128xi32, #tpu.memory_space<vmem>>) semaphore(%arg19 : memref<!tpu.dma_semaphore, #tpu.memory_space<semaphore_mem>>)
    %dma_start3A_186 = arith.constant 1 : i32
    %dma_start3A_187 = arith.constant 128 : i32
    %dma_start3A_188 = arith.constant 0 : i32
    %dma_start3A_189 = tpu.memref_slice %arg14[%dma_start3A_187, %dma_start3A_188] : memref<512x16xf32, #tpu.memory_space<vmem>> -> memref<128x16xf32, #tpu.memory_space<vmem>>
    %dma_start3A_190 = arith.constant 0 : i32
    %dma_start3A_191 = tpu.memref_slice %arg8[%dma_start3A_186, %dma_start3A_190] : memref<4x128xi32, #tpu.memory_space<vmem>> -> memref<1x128xi32, #tpu.memory_space<vmem>>
    %dma_start3A_192 = tpu.memref_squeeze %dma_start3A_191 : memref<1x128xi32, #tpu.memory_space<vmem>> -> memref<128xi32, #tpu.memory_space<vmem>>
    %dma_start3A_193 = arith.constant 0 : i32
    %dma_start3A_194 = arith.constant 0 : i32
    %dma_start3A_195 = tpu.memref_slice %arg7[%dma_start3A_193, %dma_start3A_194] : memref<1000x16xf32, #tpu.memory_space<hbm>> -> memref<1000x16xf32, #tpu.memory_space<hbm>>
    tpu.enqueue_indirect_dma source(%dma_start3A_195 : memref<1000x16xf32, #tpu.memory_space<hbm>>) target(%dma_start3A_189 : memref<128x16xf32, #tpu.memory_space<vmem>>) offsets(%dma_start3A_192 : memref<128xi32, #tpu.memory_space<vmem>>) semaphore(%arg19 : memref<!tpu.dma_semaphore, #tpu.memory_space<semaphore_mem>>)
    %dma_start3A_196 = arith.constant 2 : i32
    %dma_start3A_197 = arith.constant 256 : i32
    %dma_start3A_198 = arith.constant 0 : i32
    %dma_start3A_199 = tpu.memref_slice %arg14[%dma_start3A_197, %dma_start3A_198] : memref<512x16xf32, #tpu.memory_space<vmem>> -> memref<128x16xf32, #tpu.memory_space<vmem>>
    %dma_start3A_200 = arith.constant 0 : i32
    %dma_start3A_201 = tpu.memref_slice %arg8[%dma_start3A_196, %dma_start3A_200] : memref<4x128xi32, #tpu.memory_space<vmem>> -> memref<1x128xi32, #tpu.memory_space<vmem>>
    %dma_start3A_202 = tpu.memref_squeeze %dma_start3A_201 : memref<1x128xi32, #tpu.memory_space<vmem>> -> memref<128xi32, #tpu.memory_space<vmem>>
    %dma_start3A_203 = arith.constant 0 : i32
    %dma_start3A_204 = arith.constant 0 : i32
    %dma_start3A_205 = tpu.memref_slice %arg7[%dma_start3A_203, %dma_start3A_204] : memref<1000x16xf32, #tpu.memory_space<hbm>> -> memref<1000x16xf32, #tpu.memory_space<hbm>>
    tpu.enqueue_indirect_dma source(%dma_start3A_205 : memref<1000x16xf32, #tpu.memory_space<hbm>>) target(%dma_start3A_199 : memref<128x16xf32, #tpu.memory_space<vmem>>) offsets(%dma_start3A_202 : memref<128xi32, #tpu.memory_space<vmem>>) semaphore(%arg19 : memref<!tpu.dma_semaphore, #tpu.memory_space<semaphore_mem>>)
    %dma_start3A_206 = arith.constant 3 : i32
    %dma_start3A_207 = arith.constant 384 : i32
    %dma_start3A_208 = arith.constant 0 : i32
    %dma_start3A_209 = tpu.memref_slice %arg14[%dma_start3A_207, %dma_start3A_208] : memref<512x16xf32, #tpu.memory_space<vmem>> -> memref<128x16xf32, #tpu.memory_space<vmem>>
    %dma_start3A_210 = arith.constant 0 : i32
    %dma_start3A_211 = tpu.memref_slice %arg8[%dma_start3A_206, %dma_start3A_210] : memref<4x128xi32, #tpu.memory_space<vmem>> -> memref<1x128xi32, #tpu.memory_space<vmem>>
    %dma_start3A_212 = tpu.memref_squeeze %dma_start3A_211 : memref<1x128xi32, #tpu.memory_space<vmem>> -> memref<128xi32, #tpu.memory_space<vmem>>
    %dma_start3A_213 = arith.constant 0 : i32
    %dma_start3A_214 = arith.constant 0 : i32
    %dma_start3A_215 = tpu.memref_slice %arg7[%dma_start3A_213, %dma_start3A_214] : memref<1000x16xf32, #tpu.memory_space<hbm>> -> memref<1000x16xf32, #tpu.memory_space<hbm>>
    tpu.enqueue_indirect_dma source(%dma_start3A_215 : memref<1000x16xf32, #tpu.memory_space<hbm>>) target(%dma_start3A_209 : memref<128x16xf32, #tpu.memory_space<vmem>>) offsets(%dma_start3A_212 : memref<128xi32, #tpu.memory_space<vmem>>) semaphore(%arg19 : memref<!tpu.dma_semaphore, #tpu.memory_space<semaphore_mem>>)
    "tpu.region"() ({
      %run_scoped3A = tpu.sem_alloc : memref<!tpu.dma_semaphore, #tpu.memory_space<semaphore_mem>>
      tpu.enqueue_dma source(%arg18 : memref<512xf32, #tpu.memory_space<vmem_shared>>) target(%arg17 : memref<512xf32, #tpu.memory_space<vmem>>) target_semaphore(%run_scoped3A : memref<!tpu.dma_semaphore, #tpu.memory_space<semaphore_mem>>)
      tpu.wait_dma2 semaphore(%run_scoped3A : memref<!tpu.dma_semaphore, #tpu.memory_space<semaphore_mem>>) src(%arg18 : memref<512xf32, #tpu.memory_space<vmem_shared>>) dst(%arg17 : memref<512xf32, #tpu.memory_space<vmem>>)
      tpu.yield
    }) : () -> ()
    %scan3A_216 = arith.constant 0 : i32
    %scan3A_217 = arith.constant 16 : i32
    %scan3A_218 = arith.addi %scan3A_216, %scan3A_217 : i32
    %scan3A_219 = arith.constant 1 : i32
    %scan3A_220:2 = scf.for %scan3A_344 = %scan3A_216 to %scan3A_218 step %scan3A_219 iter_args(%scan3A_345 = %broadcast_in_dim3A_102, %scan3A_346 = %broadcast_in_dim3A_102) -> (vector<16xf32>, vector<16xf32>)  : i32 {
      %mul3A_347 = arith.constant 2 : i32
      %mul3A_348 = arith.muli %scan3A_344, %mul3A_347 : i32
      %mul3A_349 = arith.constant 16 : i32
      %mul3A_350 = arith.muli %mul3A_348, %mul3A_349 : i32
      %get3A = arith.index_cast %mul3A_350 : i32 to index
      %get3A_351 = tpu.vector_load %arg17[%get3A] {strides = array<i32>} : memref<512xf32, #tpu.memory_space<vmem>>, vector<16xf32>,
      %add3A_352 = arith.addf %scan3A_345, %get3A_351 : vector<16xf32>
      %mul3A_353 = arith.constant 2 : i32
      %mul3A_354 = arith.muli %scan3A_344, %mul3A_353 : i32
      %mul3A_355 = arith.constant 16 : i32
      %mul3A_356 = arith.muli %mul3A_354, %mul3A_355 : i32
      %add3A_357 = arith.constant 16 : i32
      %add3A_358 = arith.addi %mul3A_356, %add3A_357 : i32
      %get3A_359 = arith.index_cast %add3A_358 : i32 to index
      %get3A_360 = tpu.vector_load %arg17[%get3A_359] {strides = array<i32>} : memref<512xf32, #tpu.memory_space<vmem>>, vector<16xf32>,
      %add3A_361 = arith.addf %scan3A_346, %get3A_360 : vector<16xf32>
      scf.yield %add3A_352, %add3A_361 : vector<16xf32>, vector<16xf32>
    }
    %scan3A_221 = arith.constant 16 : i32
    %reduce_sum3A = arith.constant true
    %reduce_sum3A_222 = vector.broadcast %reduce_sum3A : i1 to vector<16xi1>
    %reduce_sum3A_223 = tpu.scan <sum>, %scan3A_220#0 masked %reduce_sum3A_222 : vector<16xf32>, vector<16xi1> -> vector<16xf32>
    %reduce_sum3A_224 = vector.extract %reduce_sum3A_223[15] : f32 from vector<16xf32>
    %broadcast_in_dim3A_225 = vector.broadcast %reduce_sum3A_224 : f32 to vector<16xf32>
    %mul3A_226 = arith.constant 6.10351563E-5 : f32
    %mul3A_227 = vector.broadcast %mul3A_226 : f32 to vector<16xf32>
    %mul3A_228 = arith.mulf %broadcast_in_dim3A_225, %mul3A_227 : vector<16xf32>
    %reduce_sum3A_229 = arith.constant true
    %reduce_sum3A_230 = vector.broadcast %reduce_sum3A_229 : i1 to vector<16xi1>
    %reduce_sum3A_231 = tpu.scan <sum>, %scan3A_220#1 masked %reduce_sum3A_230 : vector<16xf32>, vector<16xi1> -> vector<16xf32>
    %reduce_sum3A_232 = vector.extract %reduce_sum3A_231[15] : f32 from vector<16xf32>
    %broadcast_in_dim3A_233 = vector.broadcast %reduce_sum3A_232 : f32 to vector<16xf32>
    %mul3A_234 = arith.constant 6.10351563E-5 : f32
    %mul3A_235 = vector.broadcast %mul3A_234 : f32 to vector<16xf32>
    %mul3A_236 = arith.mulf %broadcast_in_dim3A_233, %mul3A_235 : vector<16xf32>
    %mul3A_237 = arith.mulf %mul3A_228, %mul3A_228 : vector<16xf32>
    %sub3A = arith.subf %mul3A_236, %mul3A_237 : vector<16xf32>
    %add3A_238 = arith.constant 9.99999974E-6 : f32
    %add3A_239 = vector.broadcast %add3A_238 : f32 to vector<16xf32>
    %add3A_240 = arith.addf %sub3A, %add3A_239 : vector<16xf32>
    %bitcast3A = vector.bitcast %add3A_240 : vector<16xf32> to vector<16xi32>
    %shift_right_arithmetic3A = arith.constant 1 : i32
    %shift_right_arithmetic3A_241 = vector.broadcast %shift_right_arithmetic3A : i32 to vector<16xi32>
    %shift_right_arithmetic3A_242 = arith.shrsi %bitcast3A, %shift_right_arithmetic3A_241 : vector<16xi32>
    %sub3A_243 = arith.constant 1597463007 : i32
    %sub3A_244 = vector.broadcast %sub3A_243 : i32 to vector<16xi32>
    %sub3A_245 = arith.subi %sub3A_244, %shift_right_arithmetic3A_242 : vector<16xi32>
    %bitcast3A_246 = vector.bitcast %sub3A_245 : vector<16xi32> to vector<16xf32>
    %mul3A_247 = arith.constant 5.000000e-01 : f32
    %mul3A_248 = vector.broadcast %mul3A_247 : f32 to vector<16xf32>
    %mul3A_249 = arith.mulf %mul3A_248, %add3A_240 : vector<16xf32>
    %mul3A_250 = arith.mulf %mul3A_249, %bitcast3A_246 : vector<16xf32>
    %mul3A_251 = arith.mulf %mul3A_250, %bitcast3A_246 : vector<16xf32>
    %sub3A_252 = arith.constant 1.500000e+00 : f32
    %sub3A_253 = vector.broadcast %sub3A_252 : f32 to vector<16xf32>
    %sub3A_254 = arith.subf %sub3A_253, %mul3A_251 : vector<16xf32>
    %mul3A_255 = arith.mulf %bitcast3A_246, %sub3A_254 : vector<16xf32>
    %mul3A_256 = arith.constant 5.000000e-01 : f32
    %mul3A_257 = vector.broadcast %mul3A_256 : f32 to vector<16xf32>
    %mul3A_258 = arith.mulf %mul3A_257, %add3A_240 : vector<16xf32>
    %mul3A_259 = arith.mulf %mul3A_258, %mul3A_255 : vector<16xf32>
    %mul3A_260 = arith.mulf %mul3A_259, %mul3A_255 : vector<16xf32>
    %sub3A_261 = arith.constant 1.500000e+00 : f32
    %sub3A_262 = vector.broadcast %sub3A_261 : f32 to vector<16xf32>
    %sub3A_263 = arith.subf %sub3A_262, %mul3A_260 : vector<16xf32>
    %mul3A_264 = arith.mulf %mul3A_255, %sub3A_263 : vector<16xf32>
    %mul3A_265 = arith.constant 5.000000e-01 : f32
    %mul3A_266 = vector.broadcast %mul3A_265 : f32 to vector<16xf32>
    %mul3A_267 = arith.mulf %mul3A_266, %add3A_240 : vector<16xf32>
    %mul3A_268 = arith.mulf %mul3A_267, %mul3A_264 : vector<16xf32>
    %mul3A_269 = arith.mulf %mul3A_268, %mul3A_264 : vector<16xf32>
    %sub3A_270 = arith.constant 1.500000e+00 : f32
    %sub3A_271 = vector.broadcast %sub3A_270 : f32 to vector<16xf32>
    %sub3A_272 = arith.subf %sub3A_271, %mul3A_269 : vector<16xf32>
    %mul3A_273 = arith.mulf %mul3A_264, %sub3A_272 : vector<16xf32>
    %mul3A_274 = arith.constant 5.000000e-01 : f32
    %mul3A_275 = vector.broadcast %mul3A_274 : f32 to vector<16xf32>
    %mul3A_276 = arith.mulf %mul3A_275, %add3A_240 : vector<16xf32>
    %mul3A_277 = arith.mulf %mul3A_276, %mul3A_273 : vector<16xf32>
    %mul3A_278 = arith.mulf %mul3A_277, %mul3A_273 : vector<16xf32>
    %sub3A_279 = arith.constant 1.500000e+00 : f32
    %sub3A_280 = vector.broadcast %sub3A_279 : f32 to vector<16xf32>
    %sub3A_281 = arith.subf %sub3A_280, %mul3A_278 : vector<16xf32>
    %mul3A_282 = arith.mulf %mul3A_273, %sub3A_281 : vector<16xf32>
    %broadcast_in_dim3A_283 = arith.constant 10 : i32
    %broadcast_in_dim3A_284 = vector.broadcast %broadcast_in_dim3A_283 : i32 to vector<16xi32>
    %broadcast_in_dim3A_285 = arith.constant 10 : i32
    %broadcast_in_dim3A_286 = vector.broadcast %broadcast_in_dim3A_285 : i32 to vector<16xi32>
    %gather3A_287 = tpu.vector_load_idx %arg12[%broadcast_in_dim3A_284, %broadcast_in_dim3A_286] : memref<16x128xf32, #tpu.memory_space<vmem>>[vector<16xi32>, vector<16xi32>], vector<16xf32>,
    %broadcast_in_dim3A_288 = arith.constant 10 : i32
    %broadcast_in_dim3A_289 = vector.broadcast %broadcast_in_dim3A_288 : i32 to vector<16xi32>
    %broadcast_in_dim3A_290 = arith.constant 11 : i32
    %broadcast_in_dim3A_291 = vector.broadcast %broadcast_in_dim3A_290 : i32 to vector<16xi32>
    %gather3A_292 = tpu.vector_load_idx %arg12[%broadcast_in_dim3A_289, %broadcast_in_dim3A_291] : memref<16x128xf32, #tpu.memory_space<vmem>>[vector<16xi32>, vector<16xi32>], vector<16xf32>,
    %mul3A_293 = arith.mulf %mul3A_282, %gather3A_287 : vector<16xf32>
    %dma_wait3A_294 = arith.constant 0 : i32
    %dma_wait3A_295 = arith.constant 0 : i32
    %dma_wait3A_296 = arith.constant 0 : i32
    %dma_wait3A_297 = tpu.memref_slice %arg14[%dma_wait3A_295, %dma_wait3A_296] : memref<512x16xf32, #tpu.memory_space<vmem>> -> memref<128x16xf32, #tpu.memory_space<vmem>>
    %dma_wait3A_298 = arith.constant 0 : i32
    %dma_wait3A_299 = tpu.memref_slice %arg8[%dma_wait3A_294, %dma_wait3A_298] : memref<4x128xi32, #tpu.memory_space<vmem>> -> memref<1x128xi32, #tpu.memory_space<vmem>>
    %dma_wait3A_300 = tpu.memref_squeeze %dma_wait3A_299 : memref<1x128xi32, #tpu.memory_space<vmem>> -> memref<128xi32, #tpu.memory_space<vmem>>
    %dma_wait3A_301 = arith.constant 0 : i32
    %dma_wait3A_302 = arith.constant 0 : i32
    %dma_wait3A_303 = tpu.memref_slice %arg7[%dma_wait3A_301, %dma_wait3A_302] : memref<1000x16xf32, #tpu.memory_space<hbm>> -> memref<1000x16xf32, #tpu.memory_space<hbm>>
    tpu.wait_indirect_dma semaphore(%arg19 : memref<!tpu.dma_semaphore, #tpu.memory_space<semaphore_mem>>) src(%dma_wait3A_303 : memref<1000x16xf32, #tpu.memory_space<hbm>>) dst(%dma_wait3A_297 : memref<128x16xf32, #tpu.memory_space<vmem>>)
    %dma_wait3A_304 = arith.constant 1 : i32
    %dma_wait3A_305 = arith.constant 128 : i32
    %dma_wait3A_306 = arith.constant 0 : i32
    %dma_wait3A_307 = tpu.memref_slice %arg14[%dma_wait3A_305, %dma_wait3A_306] : memref<512x16xf32, #tpu.memory_space<vmem>> -> memref<128x16xf32, #tpu.memory_space<vmem>>
    %dma_wait3A_308 = arith.constant 0 : i32
    %dma_wait3A_309 = tpu.memref_slice %arg8[%dma_wait3A_304, %dma_wait3A_308] : memref<4x128xi32, #tpu.memory_space<vmem>> -> memref<1x128xi32, #tpu.memory_space<vmem>>
    %dma_wait3A_310 = tpu.memref_squeeze %dma_wait3A_309 : memref<1x128xi32, #tpu.memory_space<vmem>> -> memref<128xi32, #tpu.memory_space<vmem>>
    %dma_wait3A_311 = arith.constant 0 : i32
    %dma_wait3A_312 = arith.constant 0 : i32
    %dma_wait3A_313 = tpu.memref_slice %arg7[%dma_wait3A_311, %dma_wait3A_312] : memref<1000x16xf32, #tpu.memory_space<hbm>> -> memref<1000x16xf32, #tpu.memory_space<hbm>>
    tpu.wait_indirect_dma semaphore(%arg19 : memref<!tpu.dma_semaphore, #tpu.memory_space<semaphore_mem>>) src(%dma_wait3A_313 : memref<1000x16xf32, #tpu.memory_space<hbm>>) dst(%dma_wait3A_307 : memref<128x16xf32, #tpu.memory_space<vmem>>)
    %dma_wait3A_314 = arith.constant 2 : i32
    %dma_wait3A_315 = arith.constant 256 : i32
    %dma_wait3A_316 = arith.constant 0 : i32
    %dma_wait3A_317 = tpu.memref_slice %arg14[%dma_wait3A_315, %dma_wait3A_316] : memref<512x16xf32, #tpu.memory_space<vmem>> -> memref<128x16xf32, #tpu.memory_space<vmem>>
    %dma_wait3A_318 = arith.constant 0 : i32
    %dma_wait3A_319 = tpu.memref_slice %arg8[%dma_wait3A_314, %dma_wait3A_318] : memref<4x128xi32, #tpu.memory_space<vmem>> -> memref<1x128xi32, #tpu.memory_space<vmem>>
    %dma_wait3A_320 = tpu.memref_squeeze %dma_wait3A_319 : memref<1x128xi32, #tpu.memory_space<vmem>> -> memref<128xi32, #tpu.memory_space<vmem>>
    %dma_wait3A_321 = arith.constant 0 : i32
    %dma_wait3A_322 = arith.constant 0 : i32
    %dma_wait3A_323 = tpu.memref_slice %arg7[%dma_wait3A_321, %dma_wait3A_322] : memref<1000x16xf32, #tpu.memory_space<hbm>> -> memref<1000x16xf32, #tpu.memory_space<hbm>>
    tpu.wait_indirect_dma semaphore(%arg19 : memref<!tpu.dma_semaphore, #tpu.memory_space<semaphore_mem>>) src(%dma_wait3A_323 : memref<1000x16xf32, #tpu.memory_space<hbm>>) dst(%dma_wait3A_317 : memref<128x16xf32, #tpu.memory_space<vmem>>)
    %dma_wait3A_324 = arith.constant 3 : i32
    %dma_wait3A_325 = arith.constant 384 : i32
    %dma_wait3A_326 = arith.constant 0 : i32
    %dma_wait3A_327 = tpu.memref_slice %arg14[%dma_wait3A_325, %dma_wait3A_326] : memref<512x16xf32, #tpu.memory_space<vmem>> -> memref<128x16xf32, #tpu.memory_space<vmem>>
    %dma_wait3A_328 = arith.constant 0 : i32
    %dma_wait3A_329 = tpu.memref_slice %arg8[%dma_wait3A_324, %dma_wait3A_328] : memref<4x128xi32, #tpu.memory_space<vmem>> -> memref<1x128xi32, #tpu.memory_space<vmem>>
    %dma_wait3A_330 = tpu.memref_squeeze %dma_wait3A_329 : memref<1x128xi32, #tpu.memory_space<vmem>> -> memref<128xi32, #tpu.memory_space<vmem>>
    %dma_wait3A_331 = arith.constant 0 : i32
    %dma_wait3A_332 = arith.constant 0 : i32
    %dma_wait3A_333 = tpu.memref_slice %arg7[%dma_wait3A_331, %dma_wait3A_332] : memref<1000x16xf32, #tpu.memory_space<hbm>> -> memref<1000x16xf32, #tpu.memory_space<hbm>>
    tpu.wait_indirect_dma semaphore(%arg19 : memref<!tpu.dma_semaphore, #tpu.memory_space<semaphore_mem>>) src(%dma_wait3A_333 : memref<1000x16xf32, #tpu.memory_space<hbm>>) dst(%dma_wait3A_327 : memref<128x16xf32, #tpu.memory_space<vmem>>)
    %scan3A_334 = arith.constant 0 : i32
    %scan3A_335 = arith.constant 0 : i32
    %scan3A_336 = arith.constant 32 : i32
    %scan3A_337 = arith.addi %scan3A_335, %scan3A_336 : i32
    %scan3A_338 = arith.constant 1 : i32
    scf.for %scan3A_344 = %scan3A_335 to %scan3A_337 step %scan3A_338  : i32 {
      %mul3A_345 = arith.constant 16 : i32
      %mul3A_346 = arith.muli %scan3A_344, %mul3A_345 : i32
      %add3A_347 = vector.broadcast %mul3A_346 : i32 to vector<16xi32>
      %add3A_348 = arith.addi %add3A_347, %iota3A : vector<16xi32>
      %mul3A_349 = arith.constant 16 : i32
      %mul3A_350 = arith.muli %scan3A_344, %mul3A_349 : i32
      %get3A = arith.index_cast %mul3A_350 : i32 to index
      %get3A_351 = tpu.vector_load %arg10[%get3A] {strides = array<i32>} : memref<512xf32, #tpu.memory_space<vmem>>, vector<16xf32>,
      %sub3A_352 = arith.subf %get3A_351, %mul3A_228 : vector<16xf32>
      %mul3A_353 = arith.mulf %sub3A_352, %mul3A_293 : vector<16xf32>
      %add3A_354 = arith.addf %mul3A_353, %gather3A_292 : vector<16xf32>
      %max3A = arith.constant 0.000000e+00 : f32
      %max3A_355 = vector.broadcast %max3A : f32 to vector<16xf32>
      %max3A_356 = arith.maximumf %add3A_354, %max3A_355 : vector<16xf32>
      %broadcast_in_dim3A_357 = arith.constant 0 : i32
      %broadcast_in_dim3A_358 = vector.broadcast %broadcast_in_dim3A_357 : i32 to vector<16xi32>
      %gather3A_359 = tpu.vector_load_idx %arg14[%add3A_348, %broadcast_in_dim3A_358] : memref<512x16xf32, #tpu.memory_space<vmem>>[vector<16xi32>, vector<16xi32>], vector<16xf32>,
      %mul3A_360 = arith.mulf %max3A_356, %gather3A : vector<16xf32>
      %add3A_361 = arith.addf %gather3A_359, %mul3A_360 : vector<16xf32>
      tpu.vector_store_idx %arg15[%add3A_348, %broadcast_in_dim3A_358], %add3A_361 : memref<512x128xf32, #tpu.memory_space<vmem>>[vector<16xi32>, vector<16xi32>], vector<16xf32>,
      %broadcast_in_dim3A_362 = arith.constant 1 : i32
      %broadcast_in_dim3A_363 = vector.broadcast %broadcast_in_dim3A_362 : i32 to vector<16xi32>
      %gather3A_364 = tpu.vector_load_idx %arg14[%add3A_348, %broadcast_in_dim3A_363] : memref<512x16xf32, #tpu.memory_space<vmem>>[vector<16xi32>, vector<16xi32>], vector<16xf32>,
      %mul3A_365 = arith.mulf %max3A_356, %gather3A_123 : vector<16xf32>
      %add3A_366 = arith.addf %gather3A_364, %mul3A_365 : vector<16xf32>
      tpu.vector_store_idx %arg15[%add3A_348, %broadcast_in_dim3A_363], %add3A_366 : memref<512x128xf32, #tpu.memory_space<vmem>>[vector<16xi32>, vector<16xi32>], vector<16xf32>,
      %broadcast_in_dim3A_367 = arith.constant 2 : i32
      %broadcast_in_dim3A_368 = vector.broadcast %broadcast_in_dim3A_367 : i32 to vector<16xi32>
      %gather3A_369 = tpu.vector_load_idx %arg14[%add3A_348, %broadcast_in_dim3A_368] : memref<512x16xf32, #tpu.memory_space<vmem>>[vector<16xi32>, vector<16xi32>], vector<16xf32>,
      %mul3A_370 = arith.mulf %max3A_356, %gather3A_128 : vector<16xf32>
      %add3A_371 = arith.addf %gather3A_369, %mul3A_370 : vector<16xf32>
      tpu.vector_store_idx %arg15[%add3A_348, %broadcast_in_dim3A_368], %add3A_371 : memref<512x128xf32, #tpu.memory_space<vmem>>[vector<16xi32>, vector<16xi32>], vector<16xf32>,
      %broadcast_in_dim3A_372 = arith.constant 3 : i32
      %broadcast_in_dim3A_373 = vector.broadcast %broadcast_in_dim3A_372 : i32 to vector<16xi32>
      %gather3A_374 = tpu.vector_load_idx %arg14[%add3A_348, %broadcast_in_dim3A_373] : memref<512x16xf32, #tpu.memory_space<vmem>>[vector<16xi32>, vector<16xi32>], vector<16xf32>,
      %mul3A_375 = arith.mulf %max3A_356, %gather3A_133 : vector<16xf32>
      %add3A_376 = arith.addf %gather3A_374, %mul3A_375 : vector<16xf32>
      tpu.vector_store_idx %arg15[%add3A_348, %broadcast_in_dim3A_373], %add3A_376 : memref<512x128xf32, #tpu.memory_space<vmem>>[vector<16xi32>, vector<16xi32>], vector<16xf32>,
      %broadcast_in_dim3A_377 = arith.constant 4 : i32
      %broadcast_in_dim3A_378 = vector.broadcast %broadcast_in_dim3A_377 : i32 to vector<16xi32>
      %gather3A_379 = tpu.vector_load_idx %arg14[%add3A_348, %broadcast_in_dim3A_378] : memref<512x16xf32, #tpu.memory_space<vmem>>[vector<16xi32>, vector<16xi32>], vector<16xf32>,
      %mul3A_380 = arith.mulf %max3A_356, %gather3A_138 : vector<16xf32>
      %add3A_381 = arith.addf %gather3A_379, %mul3A_380 : vector<16xf32>
      tpu.vector_store_idx %arg15[%add3A_348, %broadcast_in_dim3A_378], %add3A_381 : memref<512x128xf32, #tpu.memory_space<vmem>>[vector<16xi32>, vector<16xi32>], vector<16xf32>,
      %broadcast_in_dim3A_382 = arith.constant 5 : i32
      %broadcast_in_dim3A_383 = vector.broadcast %broadcast_in_dim3A_382 : i32 to vector<16xi32>
      %gather3A_384 = tpu.vector_load_idx %arg14[%add3A_348, %broadcast_in_dim3A_383] : memref<512x16xf32, #tpu.memory_space<vmem>>[vector<16xi32>, vector<16xi32>], vector<16xf32>,
      %mul3A_385 = arith.mulf %max3A_356, %gather3A_143 : vector<16xf32>
      %add3A_386 = arith.addf %gather3A_384, %mul3A_385 : vector<16xf32>
      tpu.vector_store_idx %arg15[%add3A_348, %broadcast_in_dim3A_383], %add3A_386 : memref<512x128xf32, #tpu.memory_space<vmem>>[vector<16xi32>, vector<16xi32>], vector<16xf32>,
      %broadcast_in_dim3A_387 = arith.constant 6 : i32
      %broadcast_in_dim3A_388 = vector.broadcast %broadcast_in_dim3A_387 : i32 to vector<16xi32>
      %gather3A_389 = tpu.vector_load_idx %arg14[%add3A_348, %broadcast_in_dim3A_388] : memref<512x16xf32, #tpu.memory_space<vmem>>[vector<16xi32>, vector<16xi32>], vector<16xf32>,
      %mul3A_390 = arith.mulf %max3A_356, %gather3A_148 : vector<16xf32>
      %add3A_391 = arith.addf %gather3A_389, %mul3A_390 : vector<16xf32>
      tpu.vector_store_idx %arg15[%add3A_348, %broadcast_in_dim3A_388], %add3A_391 : memref<512x128xf32, #tpu.memory_space<vmem>>[vector<16xi32>, vector<16xi32>], vector<16xf32>,
      %broadcast_in_dim3A_392 = arith.constant 7 : i32
      %broadcast_in_dim3A_393 = vector.broadcast %broadcast_in_dim3A_392 : i32 to vector<16xi32>
      %gather3A_394 = tpu.vector_load_idx %arg14[%add3A_348, %broadcast_in_dim3A_393] : memref<512x16xf32, #tpu.memory_space<vmem>>[vector<16xi32>, vector<16xi32>], vector<16xf32>,
      %mul3A_395 = arith.mulf %max3A_356, %gather3A_153 : vector<16xf32>
      %add3A_396 = arith.addf %gather3A_394, %mul3A_395 : vector<16xf32>
      tpu.vector_store_idx %arg15[%add3A_348, %broadcast_in_dim3A_393], %add3A_396 : memref<512x128xf32, #tpu.memory_space<vmem>>[vector<16xi32>, vector<16xi32>], vector<16xf32>,
      %broadcast_in_dim3A_397 = arith.constant 8 : i32
      %broadcast_in_dim3A_398 = vector.broadcast %broadcast_in_dim3A_397 : i32 to vector<16xi32>
      %gather3A_399 = tpu.vector_load_idx %arg14[%add3A_348, %broadcast_in_dim3A_398] : memref<512x16xf32, #tpu.memory_space<vmem>>[vector<16xi32>, vector<16xi32>], vector<16xf32>,
      %mul3A_400 = arith.mulf %max3A_356, %gather3A_158 : vector<16xf32>
      %add3A_401 = arith.addf %gather3A_399, %mul3A_400 : vector<16xf32>
      tpu.vector_store_idx %arg15[%add3A_348, %broadcast_in_dim3A_398], %add3A_401 : memref<512x128xf32, #tpu.memory_space<vmem>>[vector<16xi32>, vector<16xi32>], vector<16xf32>,
      %broadcast_in_dim3A_402 = arith.constant 9 : i32
      %broadcast_in_dim3A_403 = vector.broadcast %broadcast_in_dim3A_402 : i32 to vector<16xi32>
      %gather3A_404 = tpu.vector_load_idx %arg14[%add3A_348, %broadcast_in_dim3A_403] : memref<512x16xf32, #tpu.memory_space<vmem>>[vector<16xi32>, vector<16xi32>], vector<16xf32>,
      %mul3A_405 = arith.mulf %max3A_356, %gather3A_163 : vector<16xf32>
      %add3A_406 = arith.addf %gather3A_404, %mul3A_405 : vector<16xf32>
      tpu.vector_store_idx %arg15[%add3A_348, %broadcast_in_dim3A_403], %add3A_406 : memref<512x128xf32, #tpu.memory_space<vmem>>[vector<16xi32>, vector<16xi32>], vector<16xf32>,
      %mul3A_407 = arith.constant 16 : i32
      %mul3A_408 = arith.muli %scan3A_344, %mul3A_407 : i32
      %mul3A_409 = arith.constant 16 : i32
      %mul3A_410 = arith.muli %scan3A_344, %mul3A_409 : i32
      %add3A_411 = arith.addi %mul3A_2, %mul3A_410 : i32
      %dma_start3A_412 = arith.constant 0 : i32
      %dma_start3A_413 = tpu.memref_slice %arg15[%mul3A_408, %dma_start3A_412] : memref<512x128xf32, #tpu.memory_space<vmem>> -> memref<16x128xf32, #tpu.memory_space<vmem>>
      %dma_start3A_414 = arith.constant 0 : i32
      %dma_start3A_415 = tpu.memref_slice %arg6[%add3A_411, %dma_start3A_414] : memref<16384x128xf32, #tpu.memory_space<hbm>> -> memref<16x128xf32, #tpu.memory_space<hbm>>
      %dma_start3A_416 = arith.constant 0 : i32
      %dma_start3A_417 = tpu.memref_slice %arg6[%add3A_411, %dma_start3A_416] : memref<16384x128xf32, #tpu.memory_space<hbm>> -> memref<16x128xf32, #tpu.memory_space<hbm>>
      %dma_start3A_418 = arith.constant 0 : i32
      %dma_start3A_419 = tpu.memref_slice %arg15[%mul3A_408, %dma_start3A_418] : memref<512x128xf32, #tpu.memory_space<vmem>> -> memref<16x128xf32, #tpu.memory_space<vmem>>
      tpu.enqueue_dma source(%dma_start3A_419 : memref<16x128xf32, #tpu.memory_space<vmem>>) target(%dma_start3A_417 : memref<16x128xf32, #tpu.memory_space<hbm>>) target_semaphore(%arg20 : memref<!tpu.dma_semaphore, #tpu.memory_space<semaphore_mem>>)
    }
    %scan3A_339 = arith.constant 32 : i32
    %dma_wait3A_340 = arith.constant 0 : i32
    %dma_wait3A_341 = tpu.memref_slice %arg6[%mul3A_2, %dma_wait3A_340] : memref<16384x128xf32, #tpu.memory_space<hbm>> -> memref<512x128xf32, #tpu.memory_space<hbm>>
    %dma_wait3A_342 = arith.constant 0 : i32
    %dma_wait3A_343 = tpu.memref_slice %arg6[%mul3A_2, %dma_wait3A_342] : memref<16384x128xf32, #tpu.memory_space<hbm>> -> memref<512x128xf32, #tpu.memory_space<hbm>>
    tpu.wait_dma2 semaphore(%arg20 : memref<!tpu.dma_semaphore, #tpu.memory_space<semaphore_mem>>) src(%dma_wait3A_343 : memref<512x128xf32, #tpu.memory_space<hbm>>) dst(%arg15 : memref<512x128xf32, #tpu.memory_space<vmem>>)
    return
  }
}

</mosaic_0001>

<sc_bundles>
// kernel: kernel.3.cloned.1.call-start
scs
__scs_entry_jumppad:
0x0: {  	(pc) =	sbr.rel $0x88, $3  }
0x1: {  	(tag) =	ssettag $0x0;
	lr =	simm.s32 $0x1  }
0x2: {  	[smem:$0x3F9A] =	sst lr;
	_ =	strace $0xD0000000  }
0x3: {  	_ = 	snop  }
0x4: {  	_ = 	snop  }
0x5: {  	_ = 	snop  }
0x6: {  	_ = 	snop  }
0x7: {  	_ = 	snop  }
__scs_overlays_trampoline_lowered:
0x8: {  	[smem:$0x3FA9] =	sst s0  }
0x9: {  	[smem:$0x3FAA] =	sst s1  }
0xa: {  	[smem:$0x3FAB] =	sst s2  }
0xb: {  	[smem:$0x3FAC] =	sst s3  }
0xc: {  	[smem:$0x3FAD] =	sst s4  }
0xd: {  	[smem:$0x3FAE] =	sst s5  }
0xe: {  	[smem:$0x3FAF] =	sst s6  }
0xf: {  	[smem:$0x3FB0] =	sst s7  }
0x10: {  	[smem:$0x3FB1] =	sst s8  }
0x11: {  	[smem:$0x3FB2] =	sst s9;
	s0 =	simm.s32 @!p0 $0x0  }
0x12: {  	s1 =	sld [smem:$0x3F98];
	s0 =	simm.s32 @p0 $0x1  }
0x13: {  	[smem:$0x3FB3] =	sst s0;
	s0 =	simm.s32 @!p1 $0x0  }
0x14: {  	s2 =	sld [smem:$0x3F97];
	s0 =	simm.s32 @p1 $0x1  }
0x15: {  	[smem:$0x3FB4] =	sst s0;
	s0 =	simm.s32 @!p2 $0x0  }
0x16: {  	s3 =	sld [smem:$0x3FDB];
	s0 =	simm.s32 @p2 $0x1  }
0x17: {  	s4 =	simm.s32 $0x1BF5;
	[smem:$0x3FB6] =	sst s0  }
0x18: {  	s0 =	sld [smem:$0x3F99];
	_ =	swait.ge [sflag:s4], $0x0  }
0x19: {  	s7 =	sld [smem:$0x3F9A]  }
0x1a: {  	s8 =	sadd.s32 $0xFFFFE003, lr  }
0x1b: {  	s9 =	sadd.s32 $0xFFFFFEF7, lr;
	s5 =	simm.s32 $0xFFFFFFFF;
	p2 =	slt.u32 s8, $0xFFFFF086  }
0x1c: {  	p1 =	slt.u32 s9, $0xF7A;
	s5 =	simm.s32 @!p2 $0x0  }
0x1d: {  	s5 =	simm.s32 @p1 $0x1;
	p0 =	seq.s32 s7, s2  }
0x1e: {  	s7 =	smul.u32 @!p0 $0xF7A, s2;
	p2 =	seq.s32 @!p0 s5, $0x0  }
0x1f: {  	s9 =	smul.u32 $0xF7A, s1;
	s8 =	simm.s32 @!p0 $0x1BF5;
	p2 =	por !p2, p0  }
0x20: {  	[sflag:s8] =	ssyncset.s32 @!p0 $0xFFFFF086;
	s6 =	sadd.s32 @!p0 s3, s7;
	s7 =	simm.s32 @!p0 $0x108  }
0x21: {  	s3 =	sadd.s32 s3, s9;
	s6 =	sadd.s32 @!p0 $0x88, s6;
	s7 =	simm.s32 @p2 $0x1082  }
0x22: {  	[simem:s7], [sflag:s8] =	dma.local @!p0 [hbm:s6], $0xF7A  }
0x23: {  	s9 =	sor.u32 $0xD0000000, s2;
	s6 =	simm.s32 $0x108;
	_ =	swait.ge @!p0 [sflag:s8], $0x0  }
0x24: {  	s3 =	sadd.s32 $0x88, s3;
	s6 =	simm.s32 @!p1 $0x1082;
	[sflag:s4] =	ssyncset.s32 $0xFFFFF086  }
0x25: {  	[simem:s6], [sflag:s4] =	dma.local [hbm:s3], $0xF7A  }
0x26: {  	[smem:$0x3F9A] =	sst s1;
	(tag) =	ssettag s2;
	_ =	strace s9  }
0x27: {  	s1 =	sld [smem:$0x3FAA]  }
0x28: {  	s2 =	sld [smem:$0x3FAB]  }
0x29: {  	s4 =	sld [smem:$0x3FAD]  }
0x2a: {  	p0 =	seq.s32 s5, $0x0;
	s5 =	sld [smem:$0x3FAE]  }
0x2b: {  	s6 =	sld [smem:$0x3FAF]  }
0x2c: {  	s7 =	sld [smem:$0x3FB0]  }
0x2d: {  	s3 =	simm.s32 $0x108;
	s8 =	sld [smem:$0x3FB1]  }
0x2e: {  	s3 =	simm.s32 @!p0 $0x1082;
	s9 =	sld [smem:$0x3FB2]  }
0x2f: {  	lr =	sadd.s32 s0, s3;
	s0 =	sld [smem:$0x3FA9]  }
0x30: {  	s3 =	sld [smem:$0x3FAC]  }
0x31: {  	[smem:$0x3FB5] =	sst s10  }
0x32: {  	s10 =	sld [smem:$0x3FB3];
	_ =	sdelay $0x3  }
0x33: {  	p0 =	seq.s32 s10, $0x1;
	s10 =	sld [smem:$0x3FB5];
	_ =	sdelay $0x3  }
0x34: {  	[smem:$0x3FB5] =	sst s10  }
0x35: {  	s10 =	sld [smem:$0x3FB4];
	_ =	sdelay $0x3  }
0x36: {  	p1 =	seq.s32 s10, $0x1;
	s10 =	sld [smem:$0x3FB5];
	_ =	sdelay $0x3  }
0x37: {  	[smem:$0x3FB5] =	sst s10  }
0x38: {  	s10 =	sld [smem:$0x3FB6]  }
0x39: {  	_ = 	snop;
	(pc) =	sbr.ind lr, $3  }
0x3a: {  	_ = 	snop  }
0x3b: {  	_ = 	snop  }
0x3c: {  	p2 =	seq.s32 s10, $0x1;
	s10 =	sld [smem:$0x3FB5]  }
0x3d: {  	_ =	shalt  }
0x3e: {  	_ =	shalt  }
0x3f: {  	_ =	shalt  }
0x40: {  	_ =	shalt  }
0x41: {  	_ =	shalt  }
0x42: {  	_ =	shalt  }
0x43: {  	_ =	shalt  }
0x44: {  	_ =	shalt  }
0x45: {  	_ =	shalt  }
0x46: {  	_ =	shalt  }
0x47: {  	_ =	shalt  }
0x48: {  	_ =	shalt  }
0x49: {  	_ =	shalt  }
0x4a: {  	_ =	shalt  }
0x4b: {  	_ =	shalt  }
0x4c: {  	_ =	shalt  }
0x4d: {  	_ =	shalt  }
0x4e: {  	_ =	shalt  }
0x4f: {  	_ =	shalt  }
0x50: {  	_ =	shalt  }
0x51: {  	_ =	shalt  }
0x52: {  	_ =	shalt  }
0x53: {  	_ =	shalt  }
0x54: {  	_ =	shalt  }
0x55: {  	_ =	shalt  }
0x56: {  	_ =	shalt  }
0x57: {  	_ =	shalt  }
0x58: {  	_ =	shalt  }
0x59: {  	_ =	shalt  }
0x5a: {  	_ =	shalt  }
0x5b: {  	_ =	shalt  }
0x5c: {  	_ =	shalt  }
0x5d: {  	_ =	shalt  }
0x5e: {  	_ =	shalt  }
0x5f: {  	_ =	shalt  }
0x60: {  	_ =	shalt  }
0x61: {  	_ =	shalt  }
0x62: {  	_ =	shalt  }
0x63: {  	_ =	shalt  }
0x64: {  	_ =	shalt  }
0x65: {  	_ =	shalt  }
0x66: {  	_ =	shalt  }
0x67: {  	_ =	shalt  }
0x68: {  	_ =	shalt  }
0x69: {  	_ =	shalt  }
0x6a: {  	_ =	shalt  }
0x6b: {  	_ =	shalt  }
0x6c: {  	_ =	shalt  }
0x6d: {  	_ =	shalt  }
0x6e: {  	_ =	shalt  }
0x6f: {  	_ =	shalt  }
0x70: {  	_ =	shalt  }
0x71: {  	_ =	shalt  }
0x72: {  	_ =	shalt  }
0x73: {  	_ =	shalt  }
0x74: {  	_ =	shalt  }
0x75: {  	_ =	shalt  }
0x76: {  	_ =	shalt  }
0x77: {  	_ =	shalt  }
0x78: {  	_ =	shalt  }
0x79: {  	_ =	shalt  }
0x7a: {  	_ =	shalt  }
0x7b: {  	_ =	shalt  }
0x7c: {  	_ =	shalt  }
0x7d: {  	_ =	shalt  }
0x7e: {  	_ =	shalt  }
0x7f: {  	_ =	shalt  }
0x80: {  	_ =	shalt  }
0x81: {  	_ =	shalt  }
0x82: {  	_ =	shalt  }
0x83: {  	_ =	shalt  }
0x84: {  	_ =	shalt  }
0x85: {  	_ =	shalt  }
0x86: {  	_ =	shalt  }
0x87: {  	_ =	shalt  }
.Lfunc_end0:
.L_simem_size_0:
called_computation_lowered:
.L_overlay_start_0:
0x88: {  	s2 =	sld [smem:$0x3FD9]  }
0x89: {  	s3 =	sld [smem:$0x3FFE];
	_ =	sdelay $0x1  }
0x8a: {  	s1 =	srdreg.scid  }
0x8b: {  	s0 =	sand.u32 $0x1, s1  }
0x8c: {  	s17 =	sshll.u32 s0, $0xA;
	s2 =	sadd.s32 s3, s2  }
0x8d: {  	s2 =	sadd.s32 s2, s17  }
0x8e: {  	[smem:$0x3FC1] =	sst s2  }
0x8f: {  	_ = 	snop  }
0x90: {  	s2 =	sld [smem:$0x3FC9]  }
0x91: {  	s18 =	sld [smem:$0x3FC8]  }
0x92: {  	s4 =	sld [smem:$0x3FD0];
	(tm) =	ssettm $0x1  }
0x93: {  	s5 =	sld [smem:$0x3FFB];
	_ =	sdelay $0x3  }
0x94: {  	_ =	strace s5  }
0x95: {  	s5 =	sld [smem:$0x3FFC];
	_ =	sdelay $0x3  }
0x96: {  	_ =	strace s5  }
0x97: {  	s5 =	sld [smem:$0x3FFD];
	_ =	sdelay $0x3  }
0x98: {  	_ =	strace s5  }
0x99: {  	_ =	strace $0x8FFFFFFF  }
0x9a: {  	s19 =	sld [smem:$0x3FDB];
	_ =	sdelay $0x1  }
0x9b: {  	s6 =	simm.s32 $_scs_section_size  }
0x9c: {  	s7 =	simm.s32 $_size__tile_overlayer_lowered;
	s8 =	simm.s32 $_tile_overlayer_lowered  }
0x9d: {  	s22 =	simm.s32 $0x1BFF;
	s21 =	sshll.u32 s8, $0x1;
	s5 =	sadd.s32 s6, s19  }
0x9e: {  	s9 =	simm.s32 $0x0;
	s20 =	sshll.u32 s7, $0x1;
	s7 =	sadd.s32 s21, s5  }
0x9f: {  	[timem:s9], [sflag:s22] =	dma.local [hbm:s7], s20  }
0xa0: {  	_ =	swait.ge [sflag:s22], s20  }
0xa1: {  	s6 =	ssub.s32 $0x0, s20;
	[sflag:s22] =	ssyncset.done $0x0  }
0xa2: {  	[sflag:s22] =	ssyncadd.s32 s6;
	_ =	sdelay $0x1  }
0xa3: {  	s23 =	simm.s32 $0x1B8B  }
0xa4: {  	_ =	swait.ge [sflag:s23], $0x1  }
0xa5: {  	[sflag:s23] =	ssyncset.done $0x0  }
0xa6: {  	s25 =	simm.s32 $0x1B8E;
	s24 =	sld [smem:$0x3FFE];
	[sflag:s23] =	ssyncadd.s32 $0xFFFFFFFF  }
0xa7: {  	s26 =	simm.s32 $execute0_lowered;
	[smem:$0x3FD2] =	sst s25  }
0xa8: {  	s7 =	sshll.u32 s26, $0x1;
	_ =	strace $0x80000046;
	[dreg:$0x1] =	wrdreg $0xFFFFFFFF  }
0xa9: {  	s28 =	simm.s32 $_size_execute0_lowered;
	s5 =	sadd.s32 s5, s7;
	[dreg:$0x0] =	wrdreg $0x0  }
0xaa: {  	s7 =	sshll.u32 s28, $0x1;
	[dreg:$0x2] =	wrdreg s5  }
0xab: {  	[dreg:$0x3] =	wrdreg s7  }
0xac: {  	[dreg:$0x4] =	wrdreg $0xC0  }
0xad: {  	_ =	task [dreg:s9], $0x5FFFF  }
0xae: {  	[dreg:$0x1] =	wrdreg $0xFFFFFFFF  }
0xaf: {  	[dreg:$0x0] =	wrdreg $0x60  }
0xb0: {  	[dreg:$0x2] =	wrdreg s2  }
0xb1: {  	[dreg:$0x3] =	wrdreg s18  }
0xb2: {  	[dreg:$0x4] =	wrdreg s4  }
0xb3: {  	[dreg:$0x5] =	wrdreg s24  }
0xb4: {  	[dreg:$0x6] =	wrdreg $0x156200  }
0xb5: {  	[dreg:$0x7] =	wrdreg $0x9  }
0xb6: {  	_ =	task.clear_ibuf [dreg:s9], $0x8FFFF;
	_ =	strace $0x90000046  }
0xb7: {  	s29 =	simm.s32 $0x9;
	_ =	strace $0x80000048  }
0xb8: {  	_ =	swait.ge [sflag:s29], $0x1  }
0xb9: {  	[sflag:s29] =	ssyncadd.s32 $0xFFFFFFFF  }
0xba: {  	_ =	strace $0x90000048  }
0xbb: {  	_ =	sfence  }
0xbc: {  	s30 =	sld [smem:$0x0];
	_ =	sdelay $0x2  }
0xbd: {  	s31 =	sshll.u32 s1, $0xD;
	s1 =	sshrl.u32 s1, $0x2  }
0xbe: {  	s3 =	sand.u32 $0x4000, s31;
	s1 =	sadd.s32 s1, s30  }
0xbf: {  	s0 =	sor.u32 s3, s0;
	s1 =	sshll.u32 s1, $0x11  }
0xc0: {  	s0 =	sor.u32 s1, s0  }
0xc1: {  	s0 =	sadd.s32 $0x8F2B, s0  }
0xc2: {  	[sflag:s0] =	ssyncadd.remote.s32 $0x1  }
0xc3: {  	_ =	sfence.sel $0xFFFF  }
0xc4: {  	[dreg:$0x0] =	wrdreg $0xFFFFFFFF;
	(pc) =	sbr.abs _section_cstart, $3  }
0xc5: {  	[dreg:$0x1] =	wrdreg $0xFFFFFFFF  }
0xc6: {  	_ =	task.clear_ibuf [dreg:s9], $0x2FFFF;
	_ =	strace $0x9FFFFFFF  }
0xc7: {  	(tm) =	ssettm $0x7FFFFFFF  }
tec
execute0_lowered:
.L_overlay_start_1:
0x0: {  	(tag) =	ssettag $0x1  }
0x1: {  	s0 =	rddreg [dreg:$0x0]  }
0x2: {  	s1 =	rddreg [dreg:$0x1]  }
0x3: {  	s2 =	rddreg [dreg:$0x2]  }
0x4: {  	s4 =	rddreg [dreg:$0x3]  }
0x5: {  	s13 =	rddreg [dreg:$0x4];
	s3 =	simm.s32 $0x0  }
0x6: {  	s17 =	stileid.u32;
	s5 =	srdreg.scid;
	s28 =	simm.s32 $0x3  }
0x7: {  	s29 =	simm.s32 $0x3000;
	s30 =	simm.s32 $0x3400;
	s18 =	simm.s32 $0x5400  }
0x8: {  	s19 =	simm.s32 $0x2;
	[smem:$0x7FF] =	sst s3;
	s6 =	sadd.s32 $0x800, s4  }
0x9: {  	s20 =	sshll.u32 s17, $0xE;
	s15 =	sand.u32 $0x1, s5;
	s5 =	sadd.s32 $0xA00, s4  }
0xa: {  	s9 =	sshll.u32 s17, $0xA;
	s22 =	sshll.u32 s17, $0x6;
	s14 =	sshll.u32 s17, $0x7  }
0xb: {  	p0 =	seq.s32 s17, $0xF;
	_ =	strace $0x80000047;
	[dreg:$0x6] =	wrdreg s6  }
0xc: {  	s6 =	sadd.s32 s20, s4;
	s7 =	ssub.s32 $0x2, s15;
	s10 =	sshll.u32 s15, $0x9  }
0xd: {  	s23 =	sadd.s32 s1, s14;
	s26 =	sshrl.u32 s14, $0x2;
	s14 =	sadd.s32 s5, s14  }
0xe: {  	s31 =	sshll.u32 s15, $0xD;
	s15 =	sadd.s32 $0x1180, s4;
	s20 =	simm.s32 $0x800  }
0xf: {  	s8 =	sshrl.u32 s7, $0x1;
	s21 =	sor.u32 s10, s9;
	[dreg:$0x7] =	wrdreg s23  }
0x10: {  	s13 =	sadd.s32 s26, s13;
	s23 =	simm.s32 $0x100;
	s26 =	simm.s32 $0x0  }
0x11: {  	s16 =	ssub.s32 s7, s8;
	s8 =	smin.u32 s22, $0x3A8;
	s9 =	sshrl.u32 s21, $0x3  }
0x12: {  	v0 =	vimm.s32 $0x10;
	s21 =	simm.s32 $0x2800;
	s22 =	simm.s32 $0x80;
	s24 =	sshll.u32 s8, $0x4  }
0x13: {  	v1 =	vimm.s32 $0x90;
	v2 =	vimm.s32 $0x110;
	v3 =	vimm.s32 $0x190;
	s7 =	sadd.s32 s0, s9;
	s25 =	sadd.s32 s1, s9;
	s16 =	smax.u32 s16, $0x1  }
0x14: {  	v4 =	vimm.s32 $0x210;
	v5 =	vimm.s32 $0x290;
	v6 =	vimm.s32 $0x310;
	s0 =	sadd.s32 s31, s6;
	[dreg:$0x8] =	wrdreg s25;
	s9 =	sadd.s32 s2, s24  }
0x15: {  	v7 =	vimm.s32 $0x390;
	v8 =	vimm.s32 $0x410;
	v9 =	vimm.s32 $0x490;
	s10 =	sadd.s32 $0x10, s7;
	s11 =	sadd.s32 $0x20, s7;
	s12 =	sadd.s32 $0x30, s7  }
0x16: {  	v10 =	vlaneseq.u32;
	v11 =	vimm.s32 $0x50A;
	v12 =	vimm.s32 $0x50B;
	s6 =	sadd.s32 $0x1200, s0;
	s24 =	simm.s32 $0x180;
	s25 =	simm.s32 $0x1  }
.LBB2_1:
0x17: {  	s0 =	rddreg [dreg:$0x7];
	s1 =	simm.s32 $0x200  }
0x18: {  	[tilespmem:s1], [sflag:$0x1] =	stream.linear.gather [hbm4b:s0+s3], $0x400, $0x38;
	[tilespmem:$0x15640] =	vst v63  }
0x19: {  	s4 =	rddreg [dreg:$0x8];
	s8 =	simm.s32 $0x600  }
0x1a: {  	[tilespmem:s8], [sflag:$0x1] =	stream.linear.gather [hbm4b:s4+s3], $0x200, $0x38;
	[tilespmem:$0x15640] =	vst v63  }
0x1b: {  	_ = 	snop  }
0x1c: {  	[tilespmem:s20], [sflag:$0x1] =	stream.linear.gather [hbm4b:s9+s3], $0x2000, $0x38;
	[tilespmem:$0x15640] =	vst v63  }
0x1d: {  	s17 =	rddreg [dreg:$0x6]  }
0x1e: {  	[tilespmem:s21], [sflag:$0x1] =	stream.linear.gather [hbm4b:s17+s3], $0x800, $0x38;
	[tilespmem:$0x15640] =	vst v63  }
0x1f: {  	_ = 	snop  }
0x20: {  	[tilespmem:s3], [sflag:$0x1] =	stream.linear.gather [hbm4b:s7+s3], $0x80, $0x38;
	[tilespmem:$0x15640] =	vst v63  }
0x21: {  	_ = 	snop  }
0x22: {  	[tilespmem:s22], [sflag:$0x1] =	stream.linear.gather [hbm4b:s10+s3], $0x80, $0x38;
	[tilespmem:$0x15640] =	vst v63  }
0x23: {  	_ = 	snop  }
0x24: {  	[tilespmem:s23], [sflag:$0x1] =	stream.linear.gather [hbm4b:s11+s3], $0x80, $0x38;
	[tilespmem:$0x15640] =	vst v63  }
0x25: {  	_ = 	snop  }
0x26: {  	[tilespmem:s24], [sflag:$0x1] =	stream.linear.gather [hbm4b:s12+s3], $0x80, $0x38;
	[tilespmem:$0x15640] =	vst v63  }
0x27: {  	_ =	swait.ge [sflag:s25], $0x400  }
0x28: {  	[sflag:s25] =	ssyncset.done $0x0  }
0x29: {  	[sflag:s25] =	ssyncadd.s32 $0xFFFFFC00  }
0x2a: {  	_ =	swait.ge [sflag:s25], $0x200  }
0x2b: {  	[sflag:s25] =	ssyncset.done $0x0  }
0x2c: {  	[sflag:s25] =	ssyncadd.s32 $0xFFFFFE00  }
0x2d: {  	_ =	swait.ge [sflag:s25], $0x2000  }
0x2e: {  	[sflag:s25] =	ssyncset.done $0x0  }
0x2f: {  	[sflag:s25] =	ssyncadd.s32 $0xFFFFE000  }
0x30: {  	_ =	swait.ge [sflag:s25], $0x800  }
0x31: {  	[sflag:s25] =	ssyncset.done $0x0  }
0x32: {  	[sflag:s25] =	ssyncadd.s32 $0xFFFFF800  }
0x33: {  	_ =	swait.ge [sflag:s25], $0x80  }
0x34: {  	[sflag:s25] =	ssyncset.done $0x0  }
0x35: {  	[sflag:s25] =	ssyncadd.s32 $0xFFFFFF80  }
0x36: {  	_ =	swait.ge [sflag:s25], $0x80  }
0x37: {  	[sflag:s25] =	ssyncset.done $0x0  }
0x38: {  	[sflag:s25] =	ssyncadd.s32 $0xFFFFFF80  }
0x39: {  	_ =	swait.ge [sflag:s25], $0x80  }
0x3a: {  	[sflag:s25] =	ssyncset.done $0x0  }
0x3b: {  	[sflag:s25] =	ssyncadd.s32 $0xFFFFFF80  }
0x3c: {  	_ =	swait.ge [sflag:s25], $0x80  }
0x3d: {  	[sflag:s25] =	ssyncset.done $0x0  }
0x3e: {  	s31 =	simm.s32 $0x0;
	[sflag:s25] =	ssyncadd.s32 $0xFFFFFF80  }
0x3f: {  	v15 =	vld [tilespmem:s31+$0x200]  }
0x40: {  	v13 =	vimm.f32 $0.0e+00;
	v14 =	vimm.f32 $0.0e+00;
	s0 =	simm.s32 $0x40  }
.LBB2_2:
0x41: {  	p1 =	sne.s32 s0, $0xFC0  }
.Ltmp0:
0x42: {  	_ = 	snop;
	(pc) =	sbr.rel @p1 .LBB2_2-.Ltmp0, $4  }
0x43: {  	_ = 	snop  }
0x44: {  	s1 =	sshra.s32 s0, $0x2;
	s0 =	sadd.s32 $0x40, s0;
	v13 =	vadd.f32 v15, v13;
	v16 =	vmul.f32 v15, v15  }
0x45: {  	v15 =	vld [tilespmem:s1+$0x200]  }
0x46: {  	v14 =	vadd.f32 v16, v14  }
0x47: {  	_ =	sdelay $0x2  }
0x48: {  	v16 =	vmul.f32 v15, v15  }
0x49: {  	v13 =	vadd.f32 v15, v13  }
0x4a: {  	v14 =	vadd.f32 v16, v14  }
0x4b: {  	[tilespmem:$0x15400] =	vst v13  }
0x4c: {  	s0 =	simm.s32 $0x15400;
	[tilespmem:$0x15410] =	vst v14  }
0x4d: {  	[spmem:s13] =	stream.linear.scatter [tilespmem:s0], [sflag:$0x3], $0x20, $0x38;
	[tilespmem:$0x15640] =	vst v63  }
0x4e: {  	_ =	swait.ge [sflag:s28], $0x20  }
0x4f: {  	[sflag:s28] =	ssyncset.done $0x0  }
0x50: {  	[sflag:s28] =	ssyncadd.s32 $0xFFFFFFE0  }
0x51: {  	v13 =	vld.idx.msk [tilespmem:v0+s21+$0x0], $0xffff  }
0x52: {  	v14 =	vld.idx.msk [tilespmem:v1+s21+$0x0], $0xffff  }
0x53: {  	v15 =	vld.idx.msk [tilespmem:v2+s21+$0x0], $0xffff  }
0x54: {  	v16 =	vld.idx.msk [tilespmem:v3+s21+$0x0], $0xffff  }
0x55: {  	v17 =	vld.idx.msk [tilespmem:v4+s21+$0x0], $0xffff  }
0x56: {  	v18 =	vld.idx.msk [tilespmem:v5+s21+$0x0], $0xffff  }
0x57: {  	v19 =	vld.idx.msk [tilespmem:v6+s21+$0x0], $0xffff  }
0x58: {  	v20 =	vld.idx.msk [tilespmem:v7+s21+$0x0], $0xffff  }
0x59: {  	v21 =	vld.idx.msk [tilespmem:v8+s21+$0x0], $0xffff  }
0x5a: {  	s31 =	simm.s32 $0x0;
	s0 =	simm.s32 $0x0;
	v22 =	vld.idx.msk [tilespmem:v9+s21+$0x0], $0xffff  }
.LBB2_4:
0x5b: {  	v23 =	vmov s31  }
0x5c: {  	s1 =	sshll.u32 s0, $0x4;
	v24 =	vshll.u32 v23, $0x7  }
0x5d: {  	v40 =	vor.u32 s1, v10;
	v24 =	vor.u32 v10, v24  }
0x5e: {  	v34 =	vshll.u32 v40, $0x7;
	_ =	sdelay $0x1  }
0x5f: {  	v27 =	vand.u32 $0xF, v23;
	v25 =	vor.u32 $0x1, v34  }
0x60: {  	v23 =	vor.u32 $0x500, v27  }
0x61: {  	v26 =	vor.u32 $0x2, v34;
	v44 =	vld.idx.msk [tilespmem:v24+s21+$0x0], $0xffff  }
0x62: {  	v24 =	vld.idx.msk [tilespmem:v34+s20+$0x0], $0xffff  }
0x63: {  	v28 =	vor.u32 $0x3, v34  }
0x64: {  	v25 =	vld.idx.msk [tilespmem:v25+s20+$0x0], $0xffff  }
0x65: {  	v29 =	vor.u32 $0x4, v34;
	v30 =	vld.idx.msk [tilespmem:v23+s21+$0x0], $0xffff  }
0x66: {  	v26 =	vld.idx.msk [tilespmem:v26+s20+$0x0], $0xffff;
	v31 =	vbroadcast v44, $0x0  }
0x67: {  	v32 =	vor.u32 $0x5, v34;
	v23 =	vmax.f32 v24, $0.0e+00  }
0x68: {  	v28 =	vld.idx.msk [tilespmem:v28+s20+$0x0], $0xffff;
	v33 =	vbroadcast v44, $0x1;
	v31 =	vmul.f32 v31, v23  }
0x69: {  	v35 =	vor.u32 $0x6, v34;
	v24 =	vmax.f32 v25, $0.0e+00  }
0x6a: {  	v29 =	vld.idx.msk [tilespmem:v29+s20+$0x0], $0xffff;
	v42 =	vbroadcast v44, $0x2;
	v30 =	vadd.f32 v31, v30;
	v31 =	vmul.f32 v33, v24  }
0x6b: {  	v36 =	vor.u32 $0x7, v34;
	v25 =	vmax.f32 v26, $0.0e+00  }
0x6c: {  	v32 =	vld.idx.msk [tilespmem:v32+s20+$0x0], $0xffff;
	v43 =	vbroadcast v44, $0x3;
	v30 =	vadd.f32 v30, v31;
	v31 =	vmul.f32 v42, v25  }
0x6d: {  	v37 =	vor.u32 $0x8, v34;
	v26 =	vmax.f32 v28, $0.0e+00  }
0x6e: {  	v35 =	vld.idx.msk [tilespmem:v35+s20+$0x0], $0xffff;
	v45 =	vbroadcast v44, $0x4;
	v30 =	vadd.f32 v30, v31;
	v31 =	vmul.f32 v43, v26  }
0x6f: {  	v38 =	vor.u32 $0x9, v34;
	v28 =	vmax.f32 v29, $0.0e+00  }
0x70: {  	v36 =	vld.idx.msk [tilespmem:v36+s20+$0x0], $0xffff;
	v46 =	vbroadcast v44, $0x5;
	v30 =	vadd.f32 v30, v31;
	v31 =	vmul.f32 v45, v28  }
0x71: {  	v47 =	vor.u32 $0xA, v34;
	v29 =	vmax.f32 v32, $0.0e+00  }
0x72: {  	v37 =	vld.idx.msk [tilespmem:v37+s20+$0x0], $0xffff;
	v39 =	vbroadcast v44, $0x6;
	v33 =	vmul.f32 v46, v29;
	v31 =	vadd.f32 v30, v31  }
0x73: {  	v48 =	vor.u32 $0xB, v34;
	v30 =	vmax.f32 v35, $0.0e+00  }
0x74: {  	v38 =	vld.idx.msk [tilespmem:v38+s20+$0x0], $0xffff;
	v41 =	vbroadcast v44, $0x7;
	v39 =	vmul.f32 v39, v30;
	v33 =	vadd.f32 v31, v33  }
0x75: {  	v49 =	vor.u32 $0xC, v34;
	v31 =	vmax.f32 v36, $0.0e+00  }
0x76: {  	v51 =	vbroadcast v44, $0x8;
	v43 =	vld.idx.msk [tilespmem:v47+s20+$0x0], $0xffff;
	v50 =	vmul.f32 v41, v31;
	v33 =	vadd.f32 v33, v39  }
0x77: {  	v52 =	vor.u32 $0xE, v34;
	v32 =	vmax.f32 v37, $0.0e+00;
	v42 =	vor.u32 $0xD, v34  }
0x78: {  	v45 =	vbroadcast v44, $0x9;
	v35 =	vld.idx.msk [tilespmem:v48+s20+$0x0], $0xffff;
	v41 =	vmul.f32 v51, v32;
	v39 =	vadd.f32 v33, v50  }
0x79: {  	v53 =	vor.u32 $0xF, v34;
	v33 =	vmax.f32 v38, $0.0e+00  }
0x7a: {  	v55 =	vbroadcast v44, $0xA;
	v36 =	vld.idx.msk [tilespmem:v49+s20+$0x0], $0xffff;
	v54 =	vmul.f32 v45, v33;
	v39 =	vadd.f32 v39, v41  }
0x7b: {  	v34 =	vmax.f32 v43, $0.0e+00  }
0x7c: {  	v59 =	vbroadcast v44, $0xB;
	v42 =	vld.idx.msk [tilespmem:v42+s20+$0x0], $0xffff;
	v58 =	vmul.f32 v55, v34;
	v57 =	vadd.f32 v39, v54  }
0x7d: {  	v56 =	vld.idx.msk [tilespmem:v52+s20+$0x0], $0xffff;
	v35 =	vmax.f32 v35, $0.0e+00  }
0x7e: {  	v60 =	vbroadcast v44, $0xC;
	v41 =	vmul.f32 v59, v35;
	v39 =	vadd.f32 v57, v58  }
0x7f: {  	v38 =	vld.idx.msk [tilespmem:v53+s20+$0x0], $0xffff;
	v37 =	vmax.f32 v36, $0.0e+00  }
0x80: {  	v46 =	vbroadcast v44, $0xD;
	v45 =	vmul.f32 v60, v37;
	v41 =	vadd.f32 v39, v41  }
0x81: {  	v63 =	vbroadcast v44, $0xE;
	v39 =	vmax.f32 v42, $0.0e+00  }
0x82: {  	v36 =	vmax.f32 v56, $0.0e+00;
	v62 =	vmul.f32 v46, v39;
	v61 =	vadd.f32 v41, v45  }
0x83: {  	s17 =	simm.s32 $0x1;
	v40 =	vshll.u32 v40, $0x4;
	v44 =	vbroadcast v44, $0xF;
	v43 =	vmul.f32 v63, v36  }
0x84: {  	s1 =	simm.s32 $0x2;
	v38 =	vmax.f32 v38, $0.0e+00;
	v41 =	vmov s17;
	v42 =	vadd.f32 v61, v62  }
.LBB2_5:
0x85: {  	p1 =	sne.s32 s1, $0x9;
	v45 =	vshll.u32 v41, $0x7;
	v46 =	vor.u32 v40, v27  }
0x86: {  	v45 =	vor.u32 v10, v45;
	v27 =	vadd.f32 v42, v43;
	v42 =	vmul.f32 v44, v38;
	_ =	sdelay $0x1  }
0x87: {  	v42 =	vadd.f32 v27, v42  }
0x88: {  	v27 =	vand.u32 $0xF, v41  }
0x89: {  	v41 =	vor.u32 $0x500, v27;
	[tilespmem:v46+s29+$0x0] =	vst.idx.msk $0xffff, v42  }
0x8a: {  	v44 =	vld.idx.msk [tilespmem:v45+s21+$0x0], $0xffff;
	_ =	sdelay $0x3  }
0x8b: {  	v41 =	vld.idx.msk [tilespmem:v41+s21+$0x0], $0xffff;
	_ =	sdelay $0x1  }
0x8c: {  	v42 =	vbroadcast v44, $0x0;
	_ =	sdelay $0x1  }
0x8d: {  	v43 =	vbroadcast v44, $0x1;
	v42 =	vmul.f32 v42, v23;
	_ =	sdelay $0x1  }
0x8e: {  	v41 =	vadd.f32 v42, v41;
	v42 =	vmul.f32 v43, v24;
	v43 =	vbroadcast v44, $0x2;
	_ =	sdelay $0x1  }
0x8f: {  	v41 =	vadd.f32 v41, v42;
	v42 =	vmul.f32 v43, v25;
	v43 =	vbroadcast v44, $0x3;
	_ =	sdelay $0x1  }
0x90: {  	v41 =	vadd.f32 v41, v42;
	v42 =	vmul.f32 v43, v26;
	v43 =	vbroadcast v44, $0x4;
	_ =	sdelay $0x1  }
0x91: {  	v41 =	vadd.f32 v41, v42;
	v42 =	vmul.f32 v43, v28;
	v43 =	vbroadcast v44, $0x5;
	_ =	sdelay $0x1  }
0x92: {  	v41 =	vadd.f32 v41, v42;
	v42 =	vmul.f32 v43, v29;
	v43 =	vbroadcast v44, $0x6;
	_ =	sdelay $0x1  }
0x93: {  	v41 =	vadd.f32 v41, v42;
	v42 =	vmul.f32 v43, v30;
	v43 =	vbroadcast v44, $0x7;
	_ =	sdelay $0x1  }
0x94: {  	v41 =	vadd.f32 v41, v42;
	v42 =	vmul.f32 v43, v31;
	v43 =	vbroadcast v44, $0x8;
	_ =	sdelay $0x1  }
0x95: {  	v41 =	vadd.f32 v41, v42;
	v42 =	vmul.f32 v43, v32;
	v43 =	vbroadcast v44, $0x9;
	_ =	sdelay $0x1  }
0x96: {  	v41 =	vadd.f32 v41, v42;
	v42 =	vmul.f32 v43, v33;
	v43 =	vbroadcast v44, $0xA;
	_ =	sdelay $0x1  }
0x97: {  	v41 =	vadd.f32 v41, v42;
	v42 =	vmul.f32 v43, v34;
	v43 =	vbroadcast v44, $0xB;
	_ =	sdelay $0x1  }
0x98: {  	v41 =	vadd.f32 v41, v42;
	v42 =	vmul.f32 v43, v35;
	v43 =	vbroadcast v44, $0xC;
	_ =	sdelay $0x1  }
.Ltmp1:
0x99: {  	v41 =	vadd.f32 v41, v42;
	v42 =	vmul.f32 v43, v37;
	v43 =	vbroadcast v44, $0xD;
	(pc) =	sbr.rel @p1 .LBB2_5-.Ltmp1, $4  }
0x9a: {  	_ = 	snop  }
0x9b: {  	v45 =	vbroadcast v44, $0xE;
	v42 =	vadd.f32 v41, v42;
	v43 =	vmul.f32 v43, v39  }
0x9c: {  	v41 =	vmov s1  }
0x9d: {  	v44 =	vbroadcast v44, $0xF;
	s1 =	sadd.s32 $0x1, s1;
	v42 =	vadd.f32 v42, v43;
	v43 =	vmul.f32 v45, v36  }
0x9e: {  	v45 =	vshll.u32 v41, $0x7;
	v27 =	vor.u32 v40, v27  }
0x9f: {  	v45 =	vor.u32 v10, v45;
	v42 =	vadd.f32 v42, v43;
	v54 =	vmul.f32 v44, v38;
	_ =	sdelay $0x1  }
0xa0: {  	v42 =	vadd.f32 v42, v54  }
0xa1: {  	v41 =	vand.u32 $0xF, v41  }
0xa2: {  	v55 =	vor.u32 $0x500, v41;
	[tilespmem:v27+s29+$0x0] =	vst.idx.msk $0xffff, v42  }
0xa3: {  	v27 =	vld.idx.msk [tilespmem:v45+s21+$0x0], $0xffff;
	_ =	sdelay $0x3  }
0xa4: {  	v42 =	vld.idx.msk [tilespmem:v55+s21+$0x0], $0xffff  }
0xa5: {  	v56 =	vbroadcast v27, $0x0;
	_ =	sdelay $0x1  }
0xa6: {  	v57 =	vbroadcast v27, $0x1;
	v23 =	vmul.f32 v56, v23;
	_ =	sdelay $0x1  }
0xa7: {  	v58 =	vbroadcast v27, $0x2;
	v24 =	vmul.f32 v57, v24;
	v23 =	vadd.f32 v23, v42;
	_ =	sdelay $0x1  }
0xa8: {  	v60 =	vbroadcast v27, $0x3;
	v59 =	vmul.f32 v58, v25;
	v23 =	vadd.f32 v23, v24;
	_ =	sdelay $0x1  }
0xa9: {  	v62 =	vbroadcast v27, $0x4;
	v61 =	vmul.f32 v60, v26;
	v23 =	vadd.f32 v23, v59;
	_ =	sdelay $0x1  }
0xaa: {  	v63 =	vmul.f32 v62, v28;
	v28 =	vbroadcast v27, $0x5;
	v23 =	vadd.f32 v23, v61;
	_ =	sdelay $0x1  }
0xab: {  	v43 =	vbroadcast v27, $0x6;
	v42 =	vmul.f32 v28, v29;
	v23 =	vadd.f32 v23, v63;
	_ =	sdelay $0x1  }
0xac: {  	v45 =	vbroadcast v27, $0x7;
	v44 =	vmul.f32 v43, v30;
	v23 =	vadd.f32 v23, v42;
	_ =	sdelay $0x1  }
0xad: {  	v47 =	vbroadcast v27, $0x8;
	v46 =	vmul.f32 v45, v31;
	v23 =	vadd.f32 v23, v44;
	_ =	sdelay $0x1  }
0xae: {  	v49 =	vbroadcast v27, $0x9;
	v48 =	vmul.f32 v47, v32;
	v23 =	vadd.f32 v23, v46;
	_ =	sdelay $0x1  }
0xaf: {  	v51 =	vbroadcast v27, $0xA;
	v50 =	vmul.f32 v49, v33;
	v23 =	vadd.f32 v23, v48;
	_ =	sdelay $0x1  }
0xb0: {  	v53 =	vbroadcast v27, $0xB;
	v52 =	vmul.f32 v51, v34;
	v23 =	vadd.f32 v23, v50;
	_ =	sdelay $0x1  }
0xb1: {  	v55 =	vbroadcast v27, $0xC;
	v54 =	vmul.f32 v53, v35;
	v23 =	vadd.f32 v23, v52;
	_ =	sdelay $0x1  }
0xb2: {  	v56 =	vmul.f32 v55, v37;
	v57 =	vbroadcast v27, $0xD;
	v23 =	vadd.f32 v23, v54;
	_ =	sdelay $0x1  }
0xb3: {  	v58 =	vmul.f32 v57, v39;
	v59 =	vbroadcast v27, $0xE;
	v23 =	vadd.f32 v23, v56;
	_ =	sdelay $0x1  }
0xb4: {  	s0 =	sadd.s32 $0x1, s0;
	v60 =	vmul.f32 v59, v36;
	v61 =	vbroadcast v27, $0xF;
	v23 =	vadd.f32 v23, v58  }
0xb5: {  	p1 =	sne.s32 s0, $0x4;
	v62 =	vor.u32 v40, v41  }
.Ltmp2:
0xb6: {  	v63 =	vmul.f32 v61, v38;
	v23 =	vadd.f32 v23, v60;
	(pc) =	sbr.rel @p1 .LBB2_4-.Ltmp2, $3  }
0xb7: {  	_ = 	snop  }
0xb8: {  	v23 =	vadd.f32 v23, v63;
	_ =	sdelay $0x1  }
0xb9: {  	[tilespmem:v62+s29+$0x0] =	vst.idx.msk $0xffff, v23  }
0xba: {  	s0 =	simm.s32 @p0 $0x0;
	s1 =	simm.s32 @p0 $0x3180  }
0xbb: {  	[hbm4b:s15+s0] =	stream.linear.scatter @p0 [tilespmem:s1], [sflag:$0x3], $0x280, $0x38;
	[tilespmem:$0x15640] =	vst v63  }
0xbc: {  	s0 =	simm.s32 @p0 $0x3  }
0xbd: {  	_ =	swait.ge @p0 [sflag:s0], $0x280  }
0xbe: {  	[sflag:s0] =	ssyncset.done @p0 $0x0  }
0xbf: {  	s1 =	simm.s32 @!p0 $0x3000;
	[sflag:s0] =	ssyncadd.s32 @p0 $0xFFFFFD80;
	s0 =	simm.s32 @!p0 $0x0  }
0xc0: {  	[hbm4b:s14+s0] =	stream.linear.scatter @!p0 [tilespmem:s1], [sflag:$0x3], $0x400, $0x38;
	[tilespmem:$0x15640] =	vst v63  }
0xc1: {  	s0 =	simm.s32 @!p0 $0x3  }
0xc2: {  	_ =	swait.ge @!p0 [sflag:s0], $0x400  }
0xc3: {  	[sflag:s0] =	ssyncset.done @!p0 $0x0  }
0xc4: {  	[sflag:s0] =	ssyncadd.s32 @!p0 $0xFFFFFC00  }
0xc5: {  	s0 =	simm.s32 $0x0;
	[bflag:$0x0] =	sbarrier.arrive $0xFFFF  }
0xc6: {  	[tilespmem:s30], [sflag:$0x1] =	stream.indirect.gather [hbm4b:s5+s22], $0x10, s0, s22, $0xb8;
	[tilespmem:$0x15640] =	vst v63  }
0xc7: {  	s17 =	simm.s32 $0x3C00  }
0xc8: {  	[tilespmem:s17], [sflag:$0x1] =	stream.indirect.gather [hbm4b:s5+s22], $0x10, s22, s22, $0xb8;
	[tilespmem:$0x15640] =	vst v63  }
0xc9: {  	s2 =	simm.s32 $0x4400  }
0xca: {  	[tilespmem:s2], [sflag:$0x1] =	stream.indirect.gather [hbm4b:s5+s22], $0x10, s23, s22, $0xb8;
	[tilespmem:$0x15640] =	vst v63  }
0xcb: {  	s4 =	simm.s32 $0x4C00  }
0xcc: {  	[tilespmem:s4], [sflag:$0x1] =	stream.indirect.gather [hbm4b:s5+s22], $0x10, s24, s22, $0xb8;
	[tilespmem:$0x15640] =	vst v63  }
0xcd: {  	s8 =	rddreg [dreg:$0x4];
	s2 =	simm.s32 $0x15420  }
0xce: {  	[tilespmem:s2], [sflag:$0x3] =	stream.linear.gather [spmem:s8], $0x200, $0x38;
	[tilespmem:$0x15640] =	vst v63  }
0xcf: {  	_ =	swait.ge [sflag:s28], $0x200  }
0xd0: {  	[sflag:s28] =	ssyncset.done $0x0  }
0xd1: {  	[sflag:s28] =	ssyncadd.s32 $0xFFFFFE00  }
0xd2: {  	v23 =	vld [tilespmem:$0x15420]  }
0xd3: {  	v24 =	vld [tilespmem:$0x15430]  }
0xd4: {  	v25 =	vld [tilespmem:$0x15440]  }
0xd5: {  	v26 =	vld [tilespmem:$0x15450]  }
0xd6: {  	v27 =	vld [tilespmem:$0x15460]  }
0xd7: {  	v28 =	vld [tilespmem:$0x15470];
	v23 =	vadd.f32 $0.0e+00, v23  }
0xd8: {  	v29 =	vld [tilespmem:$0x15480]  }
0xd9: {  	v30 =	vld [tilespmem:$0x154A0];
	v24 =	vadd.f32 $0.0e+00, v24;
	v23 =	vadd.f32 v25, v23  }
0xda: {  	v25 =	vld [tilespmem:$0x15490]  }
0xdb: {  	v24 =	vadd.f32 v26, v24;
	v26 =	vld [tilespmem:$0x154B0];
	v23 =	vadd.f32 v27, v23  }
0xdc: {  	v27 =	vld [tilespmem:$0x154C0]  }
0xdd: {  	v57 =	vld [tilespmem:$0x154D0];
	v24 =	vadd.f32 v28, v24;
	v23 =	vadd.f32 v29, v23  }
0xde: {  	v58 =	vld [tilespmem:$0x154E0]  }
0xdf: {  	v59 =	vld [tilespmem:$0x15500];
	v24 =	vadd.f32 v25, v24;
	v23 =	vadd.f32 v30, v23  }
0xe0: {  	v25 =	vld [tilespmem:$0x154F0]  }
0xe1: {  	v24 =	vadd.f32 v26, v24;
	v26 =	vld [tilespmem:$0x15510];
	v23 =	vadd.f32 v27, v23  }
0xe2: {  	v27 =	vld [tilespmem:$0x15520]  }
0xe3: {  	v60 =	vld [tilespmem:$0x15530];
	v24 =	vadd.f32 v57, v24;
	v23 =	vadd.f32 v58, v23  }
0xe4: {  	v61 =	vld [tilespmem:$0x15540]  }
0xe5: {  	v62 =	vld [tilespmem:$0x15560];
	v24 =	vadd.f32 v25, v24;
	v23 =	vadd.f32 v59, v23  }
0xe6: {  	v25 =	vld [tilespmem:$0x15550]  }
0xe7: {  	v24 =	vadd.f32 v26, v24;
	v26 =	vld [tilespmem:$0x15570];
	v23 =	vadd.f32 v27, v23  }
0xe8: {  	v27 =	vld [tilespmem:$0x15580]  }
0xe9: {  	v63 =	vld [tilespmem:$0x15590];
	v24 =	vadd.f32 v60, v24;
	v23 =	vadd.f32 v61, v23  }
0xea: {  	v33 =	vld [tilespmem:$0x155A0]  }
0xeb: {  	v34 =	vld [tilespmem:$0x155C0];
	v24 =	vadd.f32 v25, v24;
	v23 =	vadd.f32 v62, v23  }
0xec: {  	v25 =	vld [tilespmem:$0x155B0]  }
0xed: {  	v24 =	vadd.f32 v26, v24;
	v26 =	vld [tilespmem:$0x155D0];
	v23 =	vadd.f32 v27, v23  }
0xee: {  	v27 =	vld [tilespmem:$0x155E0]  }
0xef: {  	v35 =	vld [tilespmem:$0x155F0];
	v24 =	vadd.f32 v63, v24;
	v23 =	vadd.f32 v33, v23  }
0xf0: {  	v36 =	vld [tilespmem:$0x15600]  }
0xf1: {  	v24 =	vadd.f32 v25, v24;
	v23 =	vadd.f32 v34, v23  }
0xf2: {  	v25 =	vld [tilespmem:$0x15610]  }
0xf3: {  	v24 =	vadd.f32 v26, v24;
	v23 =	vadd.f32 v27, v23;
	_ =	sdelay $0x1  }
0xf4: {  	v24 =	vadd.f32 v35, v24;
	v23 =	vadd.f32 v36, v23;
	_ =	sdelay $0x1  }
0xf5: {  	v24 =	vadd.f32 v25, v24;
	(xrf2) =	vadd.scan.msk.f32 $0xffff, v23;
	_ =	sdelay $0x1  }
0xf6: {  	(xrf2) =	vadd.scan.msk.f32 $0xffff, v24;
	_ =	sdelay $0x7  }
0xf7: {  	v23, _, _ =	vpop (xrf2)  }
0xf8: {  	v24 =	vmul.f32 $6.103515630e-05, v23  }
0xf9: {  	v23, _, _ =	vpop (xrf2)  }
0xfa: {  	v23 =	vmul.f32 $6.103515630e-05, v23;
	v25 =	vmul.f32 v24, v24;
	_ =	sdelay $0x1  }
0xfb: {  	v23 =	vsub.f32 v23, v25;
	_ =	sdelay $0x1  }
0xfc: {  	v23 =	vadd.f32 $9.999999740e-06, v23;
	_ =	sdelay $0x1  }
0xfd: {  	v23 =	vbroadcast v23, $0xF;
	_ =	sdelay $0x1  }
0xfe: {  	v25 =	vshra.s32 v23, $0x1;
	v26 =	vmul.f32 $5.000000000e-01, v23  }
0xff: {  	v23 =	vsub.s32 $0x5F3759DF, v25  }
0x100: {  	v25 =	vmul.f32 v23, v26;
	_ =	sdelay $0x1  }
0x101: {  	v25 =	vmul.f32 v23, v25;
	_ =	sdelay $0x1  }
0x102: {  	v25 =	vsub.f32 $1.500000000e+00, v25;
	_ =	sdelay $0x1  }
0x103: {  	v23 =	vmul.f32 v23, v25;
	_ =	sdelay $0x1  }
0x104: {  	v25 =	vmul.f32 v23, v26;
	_ =	sdelay $0x1  }
0x105: {  	v25 =	vmul.f32 v25, v23;
	_ =	sdelay $0x1  }
0x106: {  	v25 =	vsub.f32 $1.500000000e+00, v25;
	_ =	sdelay $0x1  }
0x107: {  	v27 =	vld.idx.msk [tilespmem:v11+s21+$0x0], $0xffff;
	v25 =	vmul.f32 v25, v23  }
0x108: {  	v23 =	vld.idx.msk [tilespmem:v12+s21+$0x0], $0xffff;
	_ =	swait.ge [sflag:s25], $0x800  }
0x109: {  	[sflag:s25] =	ssyncset.done $0x0;
	v37 =	vmul.f32 v25, v26  }
0x10a: {  	[sflag:s25] =	ssyncadd.s32 $0xFFFFF800  }
0x10b: {  	_ =	swait.ge [sflag:s25], $0x800;
	v28 =	vmul.f32 v37, v25  }
0x10c: {  	[sflag:s25] =	ssyncset.done $0x0  }
0x10d: {  	[sflag:s25] =	ssyncadd.s32 $0xFFFFF800;
	v28 =	vsub.f32 $1.500000000e+00, v28  }
0x10e: {  	_ =	swait.ge [sflag:s25], $0x800  }
0x10f: {  	[sflag:s25] =	ssyncset.done $0x0;
	v25 =	vmul.f32 v28, v25  }
0x110: {  	[sflag:s25] =	ssyncadd.s32 $0xFFFFF800  }
0x111: {  	_ =	swait.ge [sflag:s25], $0x800;
	v26 =	vmul.f32 v25, v26  }
0x112: {  	[sflag:s25] =	ssyncset.done $0x0  }
0x113: {  	s17 =	simm.s32 $0x600;
	[sflag:s25] =	ssyncadd.s32 $0xFFFFF800;
	v26 =	vmul.f32 v26, v25  }
0x114: {  	v38 =	vld [tilespmem:s17+$0x0]  }
0x115: {  	v26 =	vsub.f32 $1.500000000e+00, v26;
	_ =	sdelay $0x1  }
0x116: {  	v24 =	vbroadcast v24, $0xF;
	v25 =	vmul.f32 v26, v25;
	v26 =	vor.u32 s0, v10  }
0x117: {  	v39 =	vshll.u32 v26, $0x4  }
0x118: {  	v25 =	vmul.f32 v27, v25;
	v27 =	vsub.f32 v38, v24;
	_ =	sdelay $0x1  }
0x119: {  	v27 =	vmul.f32 v27, v25;
	_ =	sdelay $0x1  }
0x11a: {  	v40 =	vld.idx.msk [tilespmem:v39+s30+$0x0], $0xffff;
	v27 =	vadd.f32 v27, v23;
	_ =	sdelay $0x1  }
0x11b: {  	v26 =	vshll.u32 v26, $0x7;
	v27 =	vmax.f32 v27, $0.0e+00  }
0x11c: {  	v31 =	vor.u32 $0x1, v39;
	v41 =	vmul.f32 v27, v13;
	_ =	sdelay $0x1  }
0x11d: {  	v28 =	vadd.f32 v41, v40;
	_ =	sdelay $0x1  }
0x11e: {  	[tilespmem:v26+s18+$0x0] =	vst.idx.msk $0xffff, v28  }
0x11f: {  	v28 =	vld.idx.msk [tilespmem:v31+s30+$0x0], $0xffff;
	_ =	sdelay $0x1  }
0x120: {  	v42 =	vor.u32 $0x1, v26  }
0x121: {  	v32 =	vor.u32 $0x2, v39;
	v43 =	vmul.f32 v27, v14;
	_ =	sdelay $0x1  }
0x122: {  	v28 =	vadd.f32 v43, v28;
	_ =	sdelay $0x1  }
0x123: {  	[tilespmem:v42+s18+$0x0] =	vst.idx.msk $0xffff, v28  }
0x124: {  	v28 =	vld.idx.msk [tilespmem:v32+s30+$0x0], $0xffff;
	_ =	sdelay $0x1  }
0x125: {  	v44 =	vor.u32 $0x2, v26  }
0x126: {  	v46 =	vor.u32 $0x3, v39;
	v45 =	vmul.f32 v27, v15;
	_ =	sdelay $0x1  }
0x127: {  	v28 =	vadd.f32 v45, v28;
	_ =	sdelay $0x1  }
0x128: {  	[tilespmem:v44+s18+$0x0] =	vst.idx.msk $0xffff, v28  }
0x129: {  	v28 =	vld.idx.msk [tilespmem:v46+s30+$0x0], $0xffff;
	_ =	sdelay $0x1  }
0x12a: {  	v47 =	vor.u32 $0x3, v26  }
0x12b: {  	v49 =	vor.u32 $0x4, v39;
	v48 =	vmul.f32 v27, v16;
	_ =	sdelay $0x1  }
0x12c: {  	v28 =	vadd.f32 v28, v48;
	_ =	sdelay $0x1  }
0x12d: {  	[tilespmem:v47+s18+$0x0] =	vst.idx.msk $0xffff, v28  }
0x12e: {  	v28 =	vld.idx.msk [tilespmem:v49+s30+$0x0], $0xffff;
	_ =	sdelay $0x1  }
0x12f: {  	v50 =	vor.u32 $0x4, v26  }
0x130: {  	v52 =	vor.u32 $0x5, v39;
	v51 =	vmul.f32 v27, v17;
	_ =	sdelay $0x1  }
0x131: {  	v28 =	vadd.f32 v28, v51;
	_ =	sdelay $0x1  }
0x132: {  	[tilespmem:v50+s18+$0x0] =	vst.idx.msk $0xffff, v28  }
0x133: {  	v28 =	vld.idx.msk [tilespmem:v52+s30+$0x0], $0xffff;
	_ =	sdelay $0x1  }
0x134: {  	v53 =	vor.u32 $0x5, v26  }
0x135: {  	v55 =	vor.u32 $0x6, v39;
	v54 =	vmul.f32 v27, v18;
	_ =	sdelay $0x1  }
0x136: {  	v28 =	vadd.f32 v28, v54;
	_ =	sdelay $0x1  }
0x137: {  	[tilespmem:v53+s18+$0x0] =	vst.idx.msk $0xffff, v28  }
0x138: {  	v28 =	vld.idx.msk [tilespmem:v55+s30+$0x0], $0xffff;
	_ =	sdelay $0x1  }
0x139: {  	v56 =	vor.u32 $0x6, v26  }
0x13a: {  	v58 =	vor.u32 $0x7, v39;
	v57 =	vmul.f32 v27, v19;
	_ =	sdelay $0x1  }
0x13b: {  	v28 =	vadd.f32 v28, v57;
	_ =	sdelay $0x1  }
0x13c: {  	[tilespmem:v56+s18+$0x0] =	vst.idx.msk $0xffff, v28  }
0x13d: {  	v28 =	vld.idx.msk [tilespmem:v58+s30+$0x0], $0xffff;
	_ =	sdelay $0x1  }
0x13e: {  	v59 =	vor.u32 $0x7, v26  }
0x13f: {  	v61 =	vor.u32 $0x8, v39;
	v60 =	vmul.f32 v27, v20;
	_ =	sdelay $0x1  }
0x140: {  	v28 =	vadd.f32 v28, v60;
	_ =	sdelay $0x1  }
0x141: {  	[tilespmem:v59+s18+$0x0] =	vst.idx.msk $0xffff, v28  }
0x142: {  	v28 =	vld.idx.msk [tilespmem:v61+s30+$0x0], $0xffff;
	_ =	sdelay $0x1  }
0x143: {  	v62 =	vor.u32 $0x8, v26  }
0x144: {  	v29 =	vor.u32 $0x9, v39;
	v63 =	vmul.f32 v27, v21;
	_ =	sdelay $0x1  }
0x145: {  	v28 =	vadd.f32 v28, v63;
	_ =	sdelay $0x1  }
0x146: {  	[tilespmem:v62+s18+$0x0] =	vst.idx.msk $0xffff, v28  }
0x147: {  	v28 =	vld.idx.msk [tilespmem:v29+s30+$0x0], $0xffff;
	_ =	sdelay $0x1  }
0x148: {  	v26 =	vor.u32 $0x9, v26  }
0x149: {  	v27 =	vmul.f32 v27, v22;
	_ =	sdelay $0x1  }
0x14a: {  	v27 =	vadd.f32 v28, v27  }
0x14b: {  	s31 =	simm.s32 $0x5C00;
	s1 =	simm.s32 $0x610;
	s4 =	simm.s32 $0x5400  }
0x14c: {  	s2 =	sadd.s32 $0x100, s6;
	s17 =	smov.u32 s6;
	s0 =	simm.s32 $0x10;
	[tilespmem:v26+s18+$0x0] =	vst.idx.msk $0xffff, v27  }
.LBB2_8:
0x14d: {  	[hbm4b:s17+s3] =	stream.linear.scatter [tilespmem:s4], [sflag:$0x2], $0x800, $0x38;
	[tilespmem:$0x15640] =	vst v63  }
0x14e: {  	p1 =	sne.s32 s0, $0x1F0;
	s8 =	smov.u32 s0;
	s0 =	sadd.s32 $0x10, s0;
	v26 =	vld [tilespmem:s1+$0x0]  }
0x14f: {  	s4 =	smov.u32 s31;
	s17 =	smov.u32 s2  }
0x150: {  	v28 =	vor.u32 s8, v10  }
0x151: {  	v27 =	vshll.u32 v28, $0x4;
	_ =	sdelay $0x1  }
0x152: {  	v26 =	vsub.f32 v26, v24;
	_ =	sdelay $0x1  }
0x153: {  	v26 =	vmul.f32 v26, v25  }
0x154: {  	v29 =	vld.idx.msk [tilespmem:v27+s30+$0x0], $0xffff  }
0x155: {  	v26 =	vadd.f32 v26, v23;
	_ =	sdelay $0x1  }
0x156: {  	v28 =	vshll.u32 v28, $0x7;
	v26 =	vmax.f32 v26, $0.0e+00  }
0x157: {  	v31 =	vor.u32 $0x1, v27;
	v30 =	vmul.f32 v26, v13;
	_ =	sdelay $0x1  }
0x158: {  	v29 =	vadd.f32 v30, v29;
	_ =	sdelay $0x1  }
0x159: {  	[tilespmem:v28+s18+$0x0] =	vst.idx.msk $0xffff, v29  }
0x15a: {  	v29 =	vld.idx.msk [tilespmem:v31+s30+$0x0], $0xffff;
	_ =	sdelay $0x2  }
0x15b: {  	v30 =	vor.u32 $0x1, v28  }
0x15c: {  	v32 =	vor.u32 $0x2, v27;
	v31 =	vmul.f32 v26, v14;
	_ =	sdelay $0x1  }
0x15d: {  	v29 =	vadd.f32 v31, v29;
	_ =	sdelay $0x1  }
0x15e: {  	[tilespmem:v30+s18+$0x0] =	vst.idx.msk $0xffff, v29  }
0x15f: {  	v29 =	vld.idx.msk [tilespmem:v32+s30+$0x0], $0xffff;
	_ =	sdelay $0x2  }
0x160: {  	v30 =	vor.u32 $0x2, v28  }
0x161: {  	v31 =	vmul.f32 v26, v15;
	v32 =	vor.u32 $0x3, v27;
	_ =	sdelay $0x1  }
0x162: {  	v29 =	vadd.f32 v31, v29;
	_ =	sdelay $0x1  }
0x163: {  	[tilespmem:v30+s18+$0x0] =	vst.idx.msk $0xffff, v29  }
0x164: {  	v29 =	vld.idx.msk [tilespmem:v32+s30+$0x0], $0xffff;
	_ =	sdelay $0x2  }
0x165: {  	v30 =	vor.u32 $0x3, v28  }
0x166: {  	v31 =	vmul.f32 v26, v16;
	v32 =	vor.u32 $0x4, v27;
	_ =	sdelay $0x1  }
0x167: {  	v29 =	vadd.f32 v29, v31;
	_ =	sdelay $0x1  }
0x168: {  	[tilespmem:v30+s18+$0x0] =	vst.idx.msk $0xffff, v29  }
0x169: {  	v29 =	vld.idx.msk [tilespmem:v32+s30+$0x0], $0xffff;
	_ =	sdelay $0x2  }
0x16a: {  	v30 =	vor.u32 $0x4, v28  }
0x16b: {  	v31 =	vmul.f32 v26, v17;
	v32 =	vor.u32 $0x5, v27;
	_ =	sdelay $0x1  }
0x16c: {  	v29 =	vadd.f32 v29, v31;
	_ =	sdelay $0x1  }
0x16d: {  	[tilespmem:v30+s18+$0x0] =	vst.idx.msk $0xffff, v29  }
0x16e: {  	v29 =	vld.idx.msk [tilespmem:v32+s30+$0x0], $0xffff;
	_ =	sdelay $0x2  }
0x16f: {  	v30 =	vor.u32 $0x5, v28  }
0x170: {  	v31 =	vmul.f32 v26, v18;
	v32 =	vor.u32 $0x6, v27;
	_ =	sdelay $0x1  }
0x171: {  	v29 =	vadd.f32 v29, v31;
	_ =	sdelay $0x1  }
0x172: {  	[tilespmem:v30+s18+$0x0] =	vst.idx.msk $0xffff, v29  }
0x173: {  	v29 =	vld.idx.msk [tilespmem:v32+s30+$0x0], $0xffff;
	_ =	sdelay $0x2  }
0x174: {  	v30 =	vor.u32 $0x6, v28  }
0x175: {  	v31 =	vmul.f32 v26, v19;
	v32 =	vor.u32 $0x7, v27;
	_ =	sdelay $0x1  }
0x176: {  	v29 =	vadd.f32 v29, v31;
	_ =	sdelay $0x1  }
0x177: {  	[tilespmem:v30+s18+$0x0] =	vst.idx.msk $0xffff, v29  }
0x178: {  	v29 =	vld.idx.msk [tilespmem:v32+s30+$0x0], $0xffff;
	_ =	sdelay $0x2  }
0x179: {  	v30 =	vor.u32 $0x7, v28  }
0x17a: {  	v31 =	vmul.f32 v26, v20;
	v32 =	vor.u32 $0x8, v27;
	_ =	sdelay $0x1  }
0x17b: {  	v29 =	vadd.f32 v29, v31;
	_ =	sdelay $0x1  }
0x17c: {  	[tilespmem:v30+s18+$0x0] =	vst.idx.msk $0xffff, v29  }
0x17d: {  	v29 =	vld.idx.msk [tilespmem:v32+s30+$0x0], $0xffff;
	_ =	sdelay $0x2  }
0x17e: {  	v30 =	vor.u32 $0x8, v28  }
0x17f: {  	v27 =	vor.u32 $0x9, v27;
	v31 =	vmul.f32 v26, v21;
	_ =	sdelay $0x1  }
0x180: {  	v29 =	vadd.f32 v29, v31;
	_ =	sdelay $0x1  }
0x181: {  	[tilespmem:v30+s18+$0x0] =	vst.idx.msk $0xffff, v29  }
0x182: {  	v27 =	vld.idx.msk [tilespmem:v27+s30+$0x0], $0xffff;
	_ =	sdelay $0x2  }
0x183: {  	v28 =	vor.u32 $0x9, v28  }
.Ltmp3:
0x184: {  	v26 =	vmul.f32 v26, v22;
	(pc) =	sbr.rel @p1 .LBB2_8-.Ltmp3, $3  }
0x185: {  	_ = 	snop  }
0x186: {  	v26 =	vadd.f32 v27, v26;
	_ =	sdelay $0x1  }
0x187: {  	s31 =	sadd.s32 $0x800, s31;
	s2 =	sadd.s32 $0x100, s2;
	s1 =	sadd.s32 $0x10, s1;
	[tilespmem:v28+s18+$0x0] =	vst.idx.msk $0xffff, v26  }
0x188: {  	s26 =	sadd.s32 $0x1, s26  }
0x189: {  	p1 =	sne.s32 s26, s16  }
.Ltmp4:
0x18a: {  	_ = 	snop;
	(pc) =	sbr.rel @p1 .LBB2_1-.Ltmp4, $4  }
0x18b: {  	[hbm4b:s17+s3] =	stream.linear.scatter [tilespmem:s4], [sflag:$0x2], $0x800, $0x38;
	[tilespmem:$0x15640] =	vst v63  }
0x18c: {  	_ =	swait.ge [sflag:s19], $0x10000  }
0x18d: {  	[sflag:s19] =	ssyncset.done $0x0  }
0x18e: {  	[sflag:s19] =	ssyncadd.s32 $0xFFFF0000  }
0x18f: {  	_ =	sfence.sel $0x180000  }
0x190: {  	[bflag:$0x0] =	sbarrier.arrive $0xFFFF  }
0x191: {  	_ =	strace $0x90000047  }
0x192: {  	s0 =	stileid.u32;
	[bflag:$0x2] =	sbarrier.arrive $0xFFFF  }
0x193: {  	p0 =	sne.s32 s0, $0x0;
	s0 =	rddreg [dreg:$0x5]  }
0x194: {  	s0 =	sadd.s32 @!p0 $0x100000, s0  }
0x195: {  	[sflag:s0] =	ssyncadd.tile.s32 @!p0 $0x1;
	_ =	shalt  }
.Lfunc_end2:
_tile_overlayer_lowered:
.L_overlay_start_2:
0x196: {  	(tag) =	ssettag $0x2  }
0x197: {  	s0 =	rddreg [dreg:$0x0];
	s2 =	stileid.u32  }
0x198: {  	s1 =	rddreg [dreg:$0x1];
	p0 =	sne.s32 s2, $0x0  }
0x199: {  	s3 =	rddreg [dreg:$0x2];
	[bflag:$0x3] =	sbarrier.arrive $0xFFFF;
	s2 =	simm.s32 @!p0 $0x1C03  }
0x19a: {  	[timem:s3], [sflag:s2] =	dma.local @!p0 [hbm:s0], s1  }
0x19b: {  	s0 =	simm.s32 @!p0 $0x3  }
0x19c: {  	_ =	swait.ge @!p0 [sflag:s0], s1  }
0x19d: {  	s1 =	ssub.s32 @!p0 $0x0, s1;
	[sflag:s0] =	ssyncset.done @!p0 $0x0  }
0x19e: {  	[sflag:s0] =	ssyncadd.s32 @!p0 s1  }
0x19f: {  	[bflag:$0x3] =	sbarrier.arrive $0xFFFF  }
0x1a0: {  	_ =	shalt  }

</sc_bundles>
